<compile_context>
chip_gen: v7x
topology: tpu7x:2x2x1
jax: 0.10.2.dev20260603
libtpu: 0.0.44.dev20260713+nightly
codegen_flags: <defaults>
</compile_context>

<pallas_src>
import jax
import jax.numpy as jnp
from jax import lax
from jax.experimental import pallas as pl
from jax.experimental.pallas import tpu as pltpu
from jax.experimental.pallas import tpu_sc as plsc

N_NODES = 10000
N_EDGES = 320000
D_IN = 128
D_OUT = 128

NC = 2
NS = 16
NW = NC * NS
EPW = N_EDGES // NW
CH = 96
NCH = 104
TAIL = EPW - NCH * CH
RPT = 624
REM = N_NODES - NS * RPT
ZR = 96


def _sc_aggregate_body(feat_hbm, eflat_hbm, parts_hbm, degp_hbm,
                       s0, s1, s2, s3, d0, d1, d2, d3,
                       rows0, rows1, st, dt, rows_t, deg_v, agg,
                       i0, i1, i2, i3, gsem0, gsem1, ssem0, ssem1):
    cid = lax.axis_index("c")
    sid = lax.axis_index("s")
    wid = cid * NS + sid
    sbase = wid * EPW
    dbase = N_EDGES + wid * EPW

    zvec = jnp.zeros((16,), jnp.float32)

    def _zero_row(i, _):
        for j in range(D_IN // 16):
            rows0[i, pl.ds(j * 16, 16)] = zvec
            rows1[i, pl.ds(j * 16, 16)] = zvec
        return 0

    lax.fori_loop(0, ZR, _zero_row, 0)

    def _zero_deg(i, _):
        deg_v[pl.ds(i * 16, 16)] = zvec
        return 0

    lax.fori_loop(0, N_NODES // 16, _zero_deg, 0)

    for k in range(RPT // ZR):
        pltpu.sync_copy(rows0.at[pl.ds(0, ZR)],
                        agg.at[pl.ds(sid * RPT + k * ZR, ZR)])
    pltpu.sync_copy(rows0.at[pl.ds(0, RPT - (RPT // ZR) * ZR)],
                    agg.at[pl.ds(sid * RPT + (RPT // ZR) * ZR,
                                 RPT - (RPT // ZR) * ZR)])

    @pl.when(sid == NS - 1)
    def _zero_rem():
        pltpu.sync_copy(rows0.at[pl.ds(0, REM)], agg.at[pl.ds(NS * RPT, REM)])

    plsc.subcore_barrier()

    ones16 = jnp.ones((16,), jnp.float32)
    idxs = ((s0, d0, i0), (s1, d1, i1), (s2, d2, i2), (s3, d3, i3))
    rbuf = ((rows0, gsem0, ssem0), (rows1, gsem1, ssem1))

    pltpu.sync_copy(eflat_hbm.at[pl.ds(sbase, CH)], s0)
    pltpu.sync_copy(eflat_hbm.at[pl.ds(dbase, CH)], d0)
    pltpu.async_copy(eflat_hbm.at[pl.ds(sbase + CH, CH)], s1, i1)
    pltpu.async_copy(eflat_hbm.at[pl.ds(dbase + CH, CH)], d1, i1)
    pltpu.async_copy(rows1, agg.at[d0], ssem1, add=True)
    pltpu.async_copy(feat_hbm.at[s0], rows0, gsem0)

    def _quad(t, _):
        for b in range(4):
            c = 4 * t + b
            sidx_c, didx_c, _ = idxs[b]
            sidx_n, didx_n, isem_n = idxs[(b + 1) % 4]
            sidx_l, didx_l, isem_l = idxs[(b + 2) % 4]
            rows_p, gsem_p, ssem_p = rbuf[b % 2]
            rows_q, gsem_q, ssem_q = rbuf[1 - b % 2]
            for g in range(CH // 16):
                d16 = didx_c[pl.ds(g * 16, 16)]
                plsc.addupdate_scatter(deg_v, [d16], ones16)
            cpre = jnp.minimum(c + 2, NCH - 1)
            pltpu.async_copy(eflat_hbm.at[pl.ds(sbase + cpre * CH, CH)],
                             sidx_l, isem_l)
            pltpu.async_copy(eflat_hbm.at[pl.ds(dbase + cpre * CH, CH)],
                             didx_l, isem_l)
            pltpu.make_async_copy(rows_q, agg.at[didx_c], ssem_q).wait()
            pltpu.make_async_copy(eflat_hbm.at[pl.ds(sbase, CH)],
                                  sidx_n, isem_n).wait()
            pltpu.make_async_copy(eflat_hbm.at[pl.ds(dbase, CH)],
                                  didx_n, isem_n).wait()
            pltpu.async_copy(feat_hbm.at[sidx_n], rows_q, gsem_q)
            pltpu.make_async_copy(feat_hbm.at[sidx_c], rows_p, gsem_p).wait()
            pltpu.async_copy(rows_p, agg.at[didx_c], ssem_p, add=True)
        return 0

    lax.fori_loop(0, NCH // 4, _quad, 0)

    pltpu.make_async_copy(feat_hbm.at[s0], rows0, gsem0).wait()
    pltpu.make_async_copy(rows1, agg.at[d0], ssem1).wait()
    pltpu.make_async_copy(eflat_hbm.at[pl.ds(sbase, CH)], s1, i1).wait()
    pltpu.make_async_copy(eflat_hbm.at[pl.ds(dbase, CH)], d1, i1).wait()

    pltpu.sync_copy(eflat_hbm.at[pl.ds(sbase + NCH * CH, TAIL)], st)
    pltpu.sync_copy(eflat_hbm.at[pl.ds(dbase + NCH * CH, TAIL)], dt)
    pltpu.async_copy(feat_hbm.at[st], rows_t, gsem0).wait()
    d16 = dt[pl.ds(0, TAIL)]
    plsc.addupdate_scatter(deg_v, [d16], ones16)
    pltpu.sync_copy(rows_t, agg.at[dt], add=True)

    plsc.subcore_barrier()

    pltpu.sync_copy(agg.at[pl.ds(sid * RPT, RPT)],
                    parts_hbm.at[cid, pl.ds(sid * RPT, RPT)])

    @pl.when(sid == NS - 1)
    def _write_rem():
        pltpu.sync_copy(agg.at[pl.ds(NS * RPT, REM)],
                        parts_hbm.at[cid, pl.ds(NS * RPT, REM)])

    pltpu.sync_copy(deg_v, degp_hbm.at[wid])


def _sc_aggregate(feat, eflat):
    mesh = plsc.VectorSubcoreMesh(core_axis_name="c", subcore_axis_name="s")
    return pl.kernel(
        _sc_aggregate_body,
        out_type=(jax.ShapeDtypeStruct((NC, N_NODES, D_IN), jnp.float32),
                  jax.ShapeDtypeStruct((NW, N_NODES), jnp.float32)),
        mesh=mesh,
        compiler_params=pltpu.CompilerParams(needs_layout_passes=False),
        scratch_types=[
            pltpu.VMEM((CH,), jnp.int32),
            pltpu.VMEM((CH,), jnp.int32),
            pltpu.VMEM((CH,), jnp.int32),
            pltpu.VMEM((CH,), jnp.int32),
            pltpu.VMEM((CH,), jnp.int32),
            pltpu.VMEM((CH,), jnp.int32),
            pltpu.VMEM((CH,), jnp.int32),
            pltpu.VMEM((CH,), jnp.int32),
            pltpu.VMEM((CH, D_IN), jnp.float32),
            pltpu.VMEM((CH, D_IN), jnp.float32),
            pltpu.VMEM((TAIL,), jnp.int32),
            pltpu.VMEM((TAIL,), jnp.int32),
            pltpu.VMEM((TAIL, D_IN), jnp.float32),
            pltpu.VMEM((N_NODES,), jnp.float32),
            pltpu.VMEM_SHARED((N_NODES, D_IN), jnp.float32),
            pltpu.SemaphoreType.DMA,
            pltpu.SemaphoreType.DMA,
            pltpu.SemaphoreType.DMA,
            pltpu.SemaphoreType.DMA,
            pltpu.SemaphoreType.DMA,
            pltpu.SemaphoreType.DMA,
            pltpu.SemaphoreType.DMA,
            pltpu.SemaphoreType.DMA,
        ],
    )(feat, eflat)


BR = 1000


def _tc_epilogue_body(feat_ref, parts_ref, degp_ref, ws_ref, wn_ref, b_ref,
                      out_ref):
    agg = parts_ref[0] + parts_ref[1]
    deg = jnp.sum(degp_ref[...], axis=1)[:, None]
    h_neigh = agg / jnp.maximum(deg, 1.0)
    acc = jnp.dot(feat_ref[...], ws_ref[...], preferred_element_type=jnp.float32)
    acc = acc + jnp.dot(h_neigh, wn_ref[...], preferred_element_type=jnp.float32)
    out_ref[...] = jnp.maximum(acc + b_ref[...], 0.0)


def _tc_epilogue(feat, parts, deg_parts_t, W_self, W_neigh, b2d):
    return pl.pallas_call(
        _tc_epilogue_body,
        grid=(N_NODES // BR,),
        in_specs=[
            pl.BlockSpec((BR, D_IN), lambda i: (i, 0)),
            pl.BlockSpec((NC, BR, D_IN), lambda i: (0, i, 0)),
            pl.BlockSpec((BR, NW), lambda i: (i, 0)),
            pl.BlockSpec((D_IN, D_OUT), lambda i: (0, 0)),
            pl.BlockSpec((D_IN, D_OUT), lambda i: (0, 0)),
            pl.BlockSpec((1, D_OUT), lambda i: (0, 0)),
        ],
        out_specs=pl.BlockSpec((BR, D_OUT), lambda i: (i, 0)),
        out_shape=jax.ShapeDtypeStruct((N_NODES, D_OUT), jnp.float32),
    )(feat, parts, deg_parts_t, W_self, W_neigh, b2d)


@jax.jit
def kernel(feat, edge_index, W_self, W_neigh, b):
    eflat = edge_index.astype(jnp.int32).reshape(2 * N_EDGES)
    parts, deg_parts = _sc_aggregate(feat, eflat)
    return _tc_epilogue(feat, parts, deg_parts.T, W_self, W_neigh,
                        b.reshape(1, D_OUT))

# --- scband reference (transcript-rebuilt; emitter-appended) ---
"""Pipeline reference for scband-sage-76682346102897 (READ-ONLY COPY).

The authoritative reference and input builder live on the scoring server;
editing this copy changes nothing except your own understanding.
"""

import jax, jax.numpy as jnp
import numpy as np

N_NODES = 10000
N_EDGES = 320000
D_IN = 128
D_OUT = 128

def setup_inputs(seed: int = 0) -> dict:
    key = jax.random.key(seed)
    k1, k2, k3, k4, k5 = jax.random.split(key, 5)
    feat = jax.random.normal(k1, (N_NODES, D_IN), dtype=jnp.float32)
    edge_index = jax.random.randint(k2, (2, N_EDGES), 0, N_NODES, dtype=jnp.int64)
    # SAGEConv parameters: fc_self, fc_neigh (mean aggregator), shared bias
    W_self = jax.random.normal(k3, (D_IN, D_OUT), dtype=jnp.float32) * (1.0 / np.sqrt(D_IN))
    W_neigh = jax.random.normal(k4, (D_IN, D_OUT), dtype=jnp.float32) * (1.0 / np.sqrt(D_IN))
    b = jax.random.normal(k5, (D_OUT,), dtype=jnp.float32) * 0.01
    return {"feat": feat, "edge_index": edge_index, "W_self": W_self, "W_neigh": W_neigh, "b": b}

def reference(feat, edge_index, W_self, W_neigh, b):
    src = edge_index[0]
    dst = edge_index[1]
    # mean aggregation over in-neighbors (messages src -> dst)
    msg = jnp.take(feat, src, axis=0)                                  # gather [E, D_IN]
    agg = jax.ops.segment_sum(msg, dst, num_segments=N_NODES)          # scatter-add [N, D_IN]
    deg = jax.ops.segment_sum(jnp.ones((N_EDGES,), dtype=jnp.float32), dst, num_segments=N_NODES)
    deg = jnp.clip(deg, 1.0, None)
    h_neigh = agg / deg[:, None]
    # rst = fc_self(h_self) + fc_neigh(h_neigh) + bias, then in-place relu
    out = feat @ W_self + h_neigh @ W_neigh + b
    return jax.nn.relu(out)

if __name__ == "__main__":
    import jax
    _d = setup_inputs()
    print(jax.jit(kernel)(*tuple(_d.values())))

</pallas_src>

<mosaic_0001>
#map = affine_map<(d0, d1) -> (0, 0)>
#map1 = affine_map<(d0, d1) -> (0)>
#map2 = affine_map<(d0, d1) -> (0, 0, 0)>
module attributes {stable_mosaic.version = 14 : i64} {
  func.func @_sc_aggregate_body(%arg0: i32, %arg1: i32, %arg2: memref<10000x128xf32, #tpu.memory_space<hbm>>, %arg3: memref<640000xi32, #tpu.memory_space<hbm>>, %arg4: memref<2x10000x128xf32, #tpu.memory_space<hbm>>, %arg5: memref<32x10000xf32, #tpu.memory_space<hbm>>, %arg6: memref<96xi32, #tpu.memory_space<vmem>>, %arg7: memref<96xi32, #tpu.memory_space<vmem>>, %arg8: memref<96xi32, #tpu.memory_space<vmem>>, %arg9: memref<96xi32, #tpu.memory_space<vmem>>, %arg10: memref<96xi32, #tpu.memory_space<vmem>>, %arg11: memref<96xi32, #tpu.memory_space<vmem>>, %arg12: memref<96xi32, #tpu.memory_space<vmem>>, %arg13: memref<96xi32, #tpu.memory_space<vmem>>, %arg14: memref<96x128xf32, #tpu.memory_space<vmem>>, %arg15: memref<96x128xf32, #tpu.memory_space<vmem>>, %arg16: memref<16xi32, #tpu.memory_space<vmem>>, %arg17: memref<16xi32, #tpu.memory_space<vmem>>, %arg18: memref<16x128xf32, #tpu.memory_space<vmem>>, %arg19: memref<10000xf32, #tpu.memory_space<vmem>>, %arg20: memref<10000x128xf32, #tpu.memory_space<vmem_shared>>, %arg21: memref<!tpu.dma_semaphore, #tpu.memory_space<semaphore_mem>>, %arg22: memref<!tpu.dma_semaphore, #tpu.memory_space<semaphore_mem>>, %arg23: memref<!tpu.dma_semaphore, #tpu.memory_space<semaphore_mem>>, %arg24: memref<!tpu.dma_semaphore, #tpu.memory_space<semaphore_mem>>, %arg25: memref<!tpu.dma_semaphore, #tpu.memory_space<semaphore_mem>>, %arg26: memref<!tpu.dma_semaphore, #tpu.memory_space<semaphore_mem>>, %arg27: memref<!tpu.dma_semaphore, #tpu.memory_space<semaphore_mem>>, %arg28: memref<!tpu.dma_semaphore, #tpu.memory_space<semaphore_mem>>) attributes {dimension_semantics = [#tpu.dimension_semantics<core_parallel>, #tpu.dimension_semantics<subcore_parallel>], iteration_bounds = array<i64: 2, 16>, scalar_prefetch = 0 : i64, scratch_operands = 23 : i64, tpu.core_type = #tpu.core_type<sc_vector_subcore>, window_params = [{transform_indices = #map}, {transform_indices = #map1}, {transform_indices = #map2}, {transform_indices = #map}]} {
    %mul3A = arith.constant 16 : i32
    %mul3A_0 = arith.muli %arg0, %mul3A : i32
    %add3A = arith.addi %mul3A_0, %arg1 : i32
    %mul3A_1 = arith.constant 10000 : i32
    %mul3A_2 = arith.muli %add3A, %mul3A_1 : i32
    %mul3A_3 = arith.constant 10000 : i32
    %mul3A_4 = arith.muli %add3A, %mul3A_3 : i32
    %add3A_5 = arith.constant 320000 : i32
    %add3A_6 = arith.addi %add3A_5, %mul3A_4 : i32
    %broadcast_in_dim3A = arith.constant 0.000000e+00 : f32
    %broadcast_in_dim3A_7 = vector.broadcast %broadcast_in_dim3A : f32 to vector<16xf32>
    %scan3A = arith.constant 0 : i32
    %scan3A_8 = arith.constant 0 : i32
    %scan3A_9 = arith.constant 96 : i32
    %scan3A_10 = arith.addi %scan3A_8, %scan3A_9 : i32
    %scan3A_11 = arith.constant 1 : i32
    %scan3A_12 = scf.for %scan3A_103 = %scan3A_8 to %scan3A_10 step %scan3A_11 iter_args(%scan3A_104 = %scan3A) -> (i32)  : i32 {
      %swap3A = arith.index_cast %scan3A_103 : i32 to index
      %swap3A_105 = arith.constant 0 : index
      %swap3A_106 = tpu.vector_load %arg14[%swap3A, %swap3A_105] {strides = array<i32>} : memref<96x128xf32, #tpu.memory_space<vmem>>, vector<16xf32>,
      tpu.vector_store %arg14[%swap3A, %swap3A_105], %broadcast_in_dim3A_7 {strides = array<i32>} : memref<96x128xf32, #tpu.memory_space<vmem>>, vector<16xf32>,
      %swap3A_107 = arith.index_cast %scan3A_103 : i32 to index
      %swap3A_108 = arith.constant 0 : index
      %swap3A_109 = tpu.vector_load %arg15[%swap3A_107, %swap3A_108] {strides = array<i32>} : memref<96x128xf32, #tpu.memory_space<vmem>>, vector<16xf32>,
      tpu.vector_store %arg15[%swap3A_107, %swap3A_108], %broadcast_in_dim3A_7 {strides = array<i32>} : memref<96x128xf32, #tpu.memory_space<vmem>>, vector<16xf32>,
      %swap3A_110 = arith.index_cast %scan3A_103 : i32 to index
      %swap3A_111 = arith.constant 16 : index
      %swap3A_112 = tpu.vector_load %arg14[%swap3A_110, %swap3A_111] {strides = array<i32>} : memref<96x128xf32, #tpu.memory_space<vmem>>, vector<16xf32>,
      tpu.vector_store %arg14[%swap3A_110, %swap3A_111], %broadcast_in_dim3A_7 {strides = array<i32>} : memref<96x128xf32, #tpu.memory_space<vmem>>, vector<16xf32>,
      %swap3A_113 = arith.index_cast %scan3A_103 : i32 to index
      %swap3A_114 = arith.constant 16 : index
      %swap3A_115 = tpu.vector_load %arg15[%swap3A_113, %swap3A_114] {strides = array<i32>} : memref<96x128xf32, #tpu.memory_space<vmem>>, vector<16xf32>,
      tpu.vector_store %arg15[%swap3A_113, %swap3A_114], %broadcast_in_dim3A_7 {strides = array<i32>} : memref<96x128xf32, #tpu.memory_space<vmem>>, vector<16xf32>,
      %swap3A_116 = arith.index_cast %scan3A_103 : i32 to index
      %swap3A_117 = arith.constant 32 : index
      %swap3A_118 = tpu.vector_load %arg14[%swap3A_116, %swap3A_117] {strides = array<i32>} : memref<96x128xf32, #tpu.memory_space<vmem>>, vector<16xf32>,
      tpu.vector_store %arg14[%swap3A_116, %swap3A_117], %broadcast_in_dim3A_7 {strides = array<i32>} : memref<96x128xf32, #tpu.memory_space<vmem>>, vector<16xf32>,
      %swap3A_119 = arith.index_cast %scan3A_103 : i32 to index
      %swap3A_120 = arith.constant 32 : index
      %swap3A_121 = tpu.vector_load %arg15[%swap3A_119, %swap3A_120] {strides = array<i32>} : memref<96x128xf32, #tpu.memory_space<vmem>>, vector<16xf32>,
      tpu.vector_store %arg15[%swap3A_119, %swap3A_120], %broadcast_in_dim3A_7 {strides = array<i32>} : memref<96x128xf32, #tpu.memory_space<vmem>>, vector<16xf32>,
      %swap3A_122 = arith.index_cast %scan3A_103 : i32 to index
      %swap3A_123 = arith.constant 48 : index
      %swap3A_124 = tpu.vector_load %arg14[%swap3A_122, %swap3A_123] {strides = array<i32>} : memref<96x128xf32, #tpu.memory_space<vmem>>, vector<16xf32>,
      tpu.vector_store %arg14[%swap3A_122, %swap3A_123], %broadcast_in_dim3A_7 {strides = array<i32>} : memref<96x128xf32, #tpu.memory_space<vmem>>, vector<16xf32>,
      %swap3A_125 = arith.index_cast %scan3A_103 : i32 to index
      %swap3A_126 = arith.constant 48 : index
      %swap3A_127 = tpu.vector_load %arg15[%swap3A_125, %swap3A_126] {strides = array<i32>} : memref<96x128xf32, #tpu.memory_space<vmem>>, vector<16xf32>,
      tpu.vector_store %arg15[%swap3A_125, %swap3A_126], %broadcast_in_dim3A_7 {strides = array<i32>} : memref<96x128xf32, #tpu.memory_space<vmem>>, vector<16xf32>,
      %swap3A_128 = arith.index_cast %scan3A_103 : i32 to index
      %swap3A_129 = arith.constant 64 : index
      %swap3A_130 = tpu.vector_load %arg14[%swap3A_128, %swap3A_129] {strides = array<i32>} : memref<96x128xf32, #tpu.memory_space<vmem>>, vector<16xf32>,
      tpu.vector_store %arg14[%swap3A_128, %swap3A_129], %broadcast_in_dim3A_7 {strides = array<i32>} : memref<96x128xf32, #tpu.memory_space<vmem>>, vector<16xf32>,
      %swap3A_131 = arith.index_cast %scan3A_103 : i32 to index
      %swap3A_132 = arith.constant 64 : index
      %swap3A_133 = tpu.vector_load %arg15[%swap3A_131, %swap3A_132] {strides = array<i32>} : memref<96x128xf32, #tpu.memory_space<vmem>>, vector<16xf32>,
      tpu.vector_store %arg15[%swap3A_131, %swap3A_132], %broadcast_in_dim3A_7 {strides = array<i32>} : memref<96x128xf32, #tpu.memory_space<vmem>>, vector<16xf32>,
      %swap3A_134 = arith.index_cast %scan3A_103 : i32 to index
      %swap3A_135 = arith.constant 80 : index
      %swap3A_136 = tpu.vector_load %arg14[%swap3A_134, %swap3A_135] {strides = array<i32>} : memref<96x128xf32, #tpu.memory_space<vmem>>, vector<16xf32>,
      tpu.vector_store %arg14[%swap3A_134, %swap3A_135], %broadcast_in_dim3A_7 {strides = array<i32>} : memref<96x128xf32, #tpu.memory_space<vmem>>, vector<16xf32>,
      %swap3A_137 = arith.index_cast %scan3A_103 : i32 to index
      %swap3A_138 = arith.constant 80 : index
      %swap3A_139 = tpu.vector_load %arg15[%swap3A_137, %swap3A_138] {strides = array<i32>} : memref<96x128xf32, #tpu.memory_space<vmem>>, vector<16xf32>,
      tpu.vector_store %arg15[%swap3A_137, %swap3A_138], %broadcast_in_dim3A_7 {strides = array<i32>} : memref<96x128xf32, #tpu.memory_space<vmem>>, vector<16xf32>,
      %swap3A_140 = arith.index_cast %scan3A_103 : i32 to index
      %swap3A_141 = arith.constant 96 : index
      %swap3A_142 = tpu.vector_load %arg14[%swap3A_140, %swap3A_141] {strides = array<i32>} : memref<96x128xf32, #tpu.memory_space<vmem>>, vector<16xf32>,
      tpu.vector_store %arg14[%swap3A_140, %swap3A_141], %broadcast_in_dim3A_7 {strides = array<i32>} : memref<96x128xf32, #tpu.memory_space<vmem>>, vector<16xf32>,
      %swap3A_143 = arith.index_cast %scan3A_103 : i32 to index
      %swap3A_144 = arith.constant 96 : index
      %swap3A_145 = tpu.vector_load %arg15[%swap3A_143, %swap3A_144] {strides = array<i32>} : memref<96x128xf32, #tpu.memory_space<vmem>>, vector<16xf32>,
      tpu.vector_store %arg15[%swap3A_143, %swap3A_144], %broadcast_in_dim3A_7 {strides = array<i32>} : memref<96x128xf32, #tpu.memory_space<vmem>>, vector<16xf32>,
      %swap3A_146 = arith.index_cast %scan3A_103 : i32 to index
      %swap3A_147 = arith.constant 112 : index
      %swap3A_148 = tpu.vector_load %arg14[%swap3A_146, %swap3A_147] {strides = array<i32>} : memref<96x128xf32, #tpu.memory_space<vmem>>, vector<16xf32>,
      tpu.vector_store %arg14[%swap3A_146, %swap3A_147], %broadcast_in_dim3A_7 {strides = array<i32>} : memref<96x128xf32, #tpu.memory_space<vmem>>, vector<16xf32>,
      %swap3A_149 = arith.index_cast %scan3A_103 : i32 to index
      %swap3A_150 = arith.constant 112 : index
      %swap3A_151 = tpu.vector_load %arg15[%swap3A_149, %swap3A_150] {strides = array<i32>} : memref<96x128xf32, #tpu.memory_space<vmem>>, vector<16xf32>,
      tpu.vector_store %arg15[%swap3A_149, %swap3A_150], %broadcast_in_dim3A_7 {strides = array<i32>} : memref<96x128xf32, #tpu.memory_space<vmem>>, vector<16xf32>,
      %scan3A_152 = arith.constant 0 : i32
      scf.yield %scan3A_152 : i32
    }
    %scan3A_13 = arith.constant 96 : i32
    %scan3A_14 = arith.constant 0 : i32
    %scan3A_15 = arith.constant 0 : i32
    %scan3A_16 = arith.constant 625 : i32
    %scan3A_17 = arith.addi %scan3A_15, %scan3A_16 : i32
    %scan3A_18 = arith.constant 1 : i32
    %scan3A_19 = scf.for %scan3A_103 = %scan3A_15 to %scan3A_17 step %scan3A_18 iter_args(%scan3A_104 = %scan3A_14) -> (i32)  : i32 {
      %mul3A_105 = arith.constant 16 : i32
      %mul3A_106 = arith.muli %scan3A_103, %mul3A_105 : i32
      %swap3A = arith.index_cast %mul3A_106 : i32 to index
      %swap3A_107 = tpu.vector_load %arg19[%swap3A] {strides = array<i32>} : memref<10000xf32, #tpu.memory_space<vmem>>, vector<16xf32>,
      tpu.vector_store %arg19[%swap3A], %broadcast_in_dim3A_7 {strides = array<i32>} : memref<10000xf32, #tpu.memory_space<vmem>>, vector<16xf32>,
      %scan3A_108 = arith.constant 0 : i32
      scf.yield %scan3A_108 : i32
    }
    %scan3A_20 = arith.constant 625 : i32
    %mul3A_21 = arith.constant 624 : i32
    %mul3A_22 = arith.muli %arg1, %mul3A_21 : i32
    %add3A_23 = arith.constant 0 : i32
    %add3A_24 = arith.addi %mul3A_22, %add3A_23 : i32
    "tpu.region"() ({
      %run_scoped3A = tpu.sem_alloc : memref<!tpu.dma_semaphore, #tpu.memory_space<semaphore_mem>>
      %dma_start3A_103 = arith.constant 0 : i32
      %dma_start3A_104 = arith.constant 0 : i32
      %dma_start3A_105 = tpu.memref_slice %arg14[%dma_start3A_103, %dma_start3A_104] : memref<96x128xf32, #tpu.memory_space<vmem>> -> memref<96x128xf32, #tpu.memory_space<vmem>>
      %dma_start3A_106 = arith.constant 0 : i32
      %dma_start3A_107 = tpu.memref_slice %arg20[%add3A_24, %dma_start3A_106] : memref<10000x128xf32, #tpu.memory_space<vmem_shared>> -> memref<96x128xf32, #tpu.memory_space<vmem_shared>>
      %dma_start3A_108 = arith.constant 0 : i32
      %dma_start3A_109 = tpu.memref_slice %arg20[%add3A_24, %dma_start3A_108] : memref<10000x128xf32, #tpu.memory_space<vmem_shared>> -> memref<96x128xf32, #tpu.memory_space<vmem_shared>>
      %dma_start3A_110 = arith.constant 0 : i32
      %dma_start3A_111 = arith.constant 0 : i32
      %dma_start3A_112 = tpu.memref_slice %arg14[%dma_start3A_110, %dma_start3A_111] : memref<96x128xf32, #tpu.memory_space<vmem>> -> memref<96x128xf32, #tpu.memory_space<vmem>>
      tpu.enqueue_dma source(%dma_start3A_112 : memref<96x128xf32, #tpu.memory_space<vmem>>) target(%dma_start3A_109 : memref<96x128xf32, #tpu.memory_space<vmem_shared>>) target_semaphore(%run_scoped3A : memref<!tpu.dma_semaphore, #tpu.memory_space<semaphore_mem>>)
      %dma_wait3A_113 = arith.constant 0 : i32
      %dma_wait3A_114 = arith.constant 0 : i32
      %dma_wait3A_115 = tpu.memref_slice %arg14[%dma_wait3A_113, %dma_wait3A_114] : memref<96x128xf32, #tpu.memory_space<vmem>> -> memref<96x128xf32, #tpu.memory_space<vmem>>
      %dma_wait3A_116 = arith.constant 0 : i32
      %dma_wait3A_117 = tpu.memref_slice %arg20[%add3A_24, %dma_wait3A_116] : memref<10000x128xf32, #tpu.memory_space<vmem_shared>> -> memref<96x128xf32, #tpu.memory_space<vmem_shared>>
      %dma_wait3A_118 = arith.constant 0 : i32
      %dma_wait3A_119 = tpu.memref_slice %arg20[%add3A_24, %dma_wait3A_118] : memref<10000x128xf32, #tpu.memory_space<vmem_shared>> -> memref<96x128xf32, #tpu.memory_space<vmem_shared>>
      %dma_wait3A_120 = arith.constant 0 : i32
      %dma_wait3A_121 = arith.constant 0 : i32
      %dma_wait3A_122 = tpu.memref_slice %arg14[%dma_wait3A_120, %dma_wait3A_121] : memref<96x128xf32, #tpu.memory_space<vmem>> -> memref<96x128xf32, #tpu.memory_space<vmem>>
      tpu.wait_dma2 semaphore(%run_scoped3A : memref<!tpu.dma_semaphore, #tpu.memory_space<semaphore_mem>>) src(%dma_wait3A_122 : memref<96x128xf32, #tpu.memory_space<vmem>>) dst(%dma_wait3A_119 : memref<96x128xf32, #tpu.memory_space<vmem_shared>>)
      tpu.yield
    }) : () -> ()
    %mul3A_25 = arith.constant 624 : i32
    %mul3A_26 = arith.muli %arg1, %mul3A_25 : i32
    %add3A_27 = arith.constant 96 : i32
    %add3A_28 = arith.addi %mul3A_26, %add3A_27 : i32
    "tpu.region"() ({
      %run_scoped3A = tpu.sem_alloc : memref<!tpu.dma_semaphore, #tpu.memory_space<semaphore_mem>>
      %dma_start3A_103 = arith.constant 0 : i32
      %dma_start3A_104 = arith.constant 0 : i32
      %dma_start3A_105 = tpu.memref_slice %arg14[%dma_start3A_103, %dma_start3A_104] : memref<96x128xf32, #tpu.memory_space<vmem>> -> memref<96x128xf32, #tpu.memory_space<vmem>>
      %dma_start3A_106 = arith.constant 0 : i32
      %dma_start3A_107 = tpu.memref_slice %arg20[%add3A_28, %dma_start3A_106] : memref<10000x128xf32, #tpu.memory_space<vmem_shared>> -> memref<96x128xf32, #tpu.memory_space<vmem_shared>>
      %dma_start3A_108 = arith.constant 0 : i32
      %dma_start3A_109 = tpu.memref_slice %arg20[%add3A_28, %dma_start3A_108] : memref<10000x128xf32, #tpu.memory_space<vmem_shared>> -> memref<96x128xf32, #tpu.memory_space<vmem_shared>>
      %dma_start3A_110 = arith.constant 0 : i32
      %dma_start3A_111 = arith.constant 0 : i32
      %dma_start3A_112 = tpu.memref_slice %arg14[%dma_start3A_110, %dma_start3A_111] : memref<96x128xf32, #tpu.memory_space<vmem>> -> memref<96x128xf32, #tpu.memory_space<vmem>>
      tpu.enqueue_dma source(%dma_start3A_112 : memref<96x128xf32, #tpu.memory_space<vmem>>) target(%dma_start3A_109 : memref<96x128xf32, #tpu.memory_space<vmem_shared>>) target_semaphore(%run_scoped3A : memref<!tpu.dma_semaphore, #tpu.memory_space<semaphore_mem>>)
      %dma_wait3A_113 = arith.constant 0 : i32
      %dma_wait3A_114 = arith.constant 0 : i32
      %dma_wait3A_115 = tpu.memref_slice %arg14[%dma_wait3A_113, %dma_wait3A_114] : memref<96x128xf32, #tpu.memory_space<vmem>> -> memref<96x128xf32, #tpu.memory_space<vmem>>
      %dma_wait3A_116 = arith.constant 0 : i32
      %dma_wait3A_117 = tpu.memref_slice %arg20[%add3A_28, %dma_wait3A_116] : memref<10000x128xf32, #tpu.memory_space<vmem_shared>> -> memref<96x128xf32, #tpu.memory_space<vmem_shared>>
      %dma_wait3A_118 = arith.constant 0 : i32
      %dma_wait3A_119 = tpu.memref_slice %arg20[%add3A_28, %dma_wait3A_118] : memref<10000x128xf32, #tpu.memory_space<vmem_shared>> -> memref<96x128xf32, #tpu.memory_space<vmem_shared>>
      %dma_wait3A_120 = arith.constant 0 : i32
      %dma_wait3A_121 = arith.constant 0 : i32
      %dma_wait3A_122 = tpu.memref_slice %arg14[%dma_wait3A_120, %dma_wait3A_121] : memref<96x128xf32, #tpu.memory_space<vmem>> -> memref<96x128xf32, #tpu.memory_space<vmem>>
      tpu.wait_dma2 semaphore(%run_scoped3A : memref<!tpu.dma_semaphore, #tpu.memory_space<semaphore_mem>>) src(%dma_wait3A_122 : memref<96x128xf32, #tpu.memory_space<vmem>>) dst(%dma_wait3A_119 : memref<96x128xf32, #tpu.memory_space<vmem_shared>>)
      tpu.yield
    }) : () -> ()
    %mul3A_29 = arith.constant 624 : i32
    %mul3A_30 = arith.muli %arg1, %mul3A_29 : i32
    %add3A_31 = arith.constant 192 : i32
    %add3A_32 = arith.addi %mul3A_30, %add3A_31 : i32
    "tpu.region"() ({
      %run_scoped3A = tpu.sem_alloc : memref<!tpu.dma_semaphore, #tpu.memory_space<semaphore_mem>>
      %dma_start3A_103 = arith.constant 0 : i32
      %dma_start3A_104 = arith.constant 0 : i32
      %dma_start3A_105 = tpu.memref_slice %arg14[%dma_start3A_103, %dma_start3A_104] : memref<96x128xf32, #tpu.memory_space<vmem>> -> memref<96x128xf32, #tpu.memory_space<vmem>>
      %dma_start3A_106 = arith.constant 0 : i32
      %dma_start3A_107 = tpu.memref_slice %arg20[%add3A_32, %dma_start3A_106] : memref<10000x128xf32, #tpu.memory_space<vmem_shared>> -> memref<96x128xf32, #tpu.memory_space<vmem_shared>>
      %dma_start3A_108 = arith.constant 0 : i32
      %dma_start3A_109 = tpu.memref_slice %arg20[%add3A_32, %dma_start3A_108] : memref<10000x128xf32, #tpu.memory_space<vmem_shared>> -> memref<96x128xf32, #tpu.memory_space<vmem_shared>>
      %dma_start3A_110 = arith.constant 0 : i32
      %dma_start3A_111 = arith.constant 0 : i32
      %dma_start3A_112 = tpu.memref_slice %arg14[%dma_start3A_110, %dma_start3A_111] : memref<96x128xf32, #tpu.memory_space<vmem>> -> memref<96x128xf32, #tpu.memory_space<vmem>>
      tpu.enqueue_dma source(%dma_start3A_112 : memref<96x128xf32, #tpu.memory_space<vmem>>) target(%dma_start3A_109 : memref<96x128xf32, #tpu.memory_space<vmem_shared>>) target_semaphore(%run_scoped3A : memref<!tpu.dma_semaphore, #tpu.memory_space<semaphore_mem>>)
      %dma_wait3A_113 = arith.constant 0 : i32
      %dma_wait3A_114 = arith.constant 0 : i32
      %dma_wait3A_115 = tpu.memref_slice %arg14[%dma_wait3A_113, %dma_wait3A_114] : memref<96x128xf32, #tpu.memory_space<vmem>> -> memref<96x128xf32, #tpu.memory_space<vmem>>
      %dma_wait3A_116 = arith.constant 0 : i32
      %dma_wait3A_117 = tpu.memref_slice %arg20[%add3A_32, %dma_wait3A_116] : memref<10000x128xf32, #tpu.memory_space<vmem_shared>> -> memref<96x128xf32, #tpu.memory_space<vmem_shared>>
      %dma_wait3A_118 = arith.constant 0 : i32
      %dma_wait3A_119 = tpu.memref_slice %arg20[%add3A_32, %dma_wait3A_118] : memref<10000x128xf32, #tpu.memory_space<vmem_shared>> -> memref<96x128xf32, #tpu.memory_space<vmem_shared>>
      %dma_wait3A_120 = arith.constant 0 : i32
      %dma_wait3A_121 = arith.constant 0 : i32
      %dma_wait3A_122 = tpu.memref_slice %arg14[%dma_wait3A_120, %dma_wait3A_121] : memref<96x128xf32, #tpu.memory_space<vmem>> -> memref<96x128xf32, #tpu.memory_space<vmem>>
      tpu.wait_dma2 semaphore(%run_scoped3A : memref<!tpu.dma_semaphore, #tpu.memory_space<semaphore_mem>>) src(%dma_wait3A_122 : memref<96x128xf32, #tpu.memory_space<vmem>>) dst(%dma_wait3A_119 : memref<96x128xf32, #tpu.memory_space<vmem_shared>>)
      tpu.yield
    }) : () -> ()
    %mul3A_33 = arith.constant 624 : i32
    %mul3A_34 = arith.muli %arg1, %mul3A_33 : i32
    %add3A_35 = arith.constant 288 : i32
    %add3A_36 = arith.addi %mul3A_34, %add3A_35 : i32
    "tpu.region"() ({
      %run_scoped3A = tpu.sem_alloc : memref<!tpu.dma_semaphore, #tpu.memory_space<semaphore_mem>>
      %dma_start3A_103 = arith.constant 0 : i32
      %dma_start3A_104 = arith.constant 0 : i32
      %dma_start3A_105 = tpu.memref_slice %arg14[%dma_start3A_103, %dma_start3A_104] : memref<96x128xf32, #tpu.memory_space<vmem>> -> memref<96x128xf32, #tpu.memory_space<vmem>>
      %dma_start3A_106 = arith.constant 0 : i32
      %dma_start3A_107 = tpu.memref_slice %arg20[%add3A_36, %dma_start3A_106] : memref<10000x128xf32, #tpu.memory_space<vmem_shared>> -> memref<96x128xf32, #tpu.memory_space<vmem_shared>>
      %dma_start3A_108 = arith.constant 0 : i32
      %dma_start3A_109 = tpu.memref_slice %arg20[%add3A_36, %dma_start3A_108] : memref<10000x128xf32, #tpu.memory_space<vmem_shared>> -> memref<96x128xf32, #tpu.memory_space<vmem_shared>>
      %dma_start3A_110 = arith.constant 0 : i32
      %dma_start3A_111 = arith.constant 0 : i32
      %dma_start3A_112 = tpu.memref_slice %arg14[%dma_start3A_110, %dma_start3A_111] : memref<96x128xf32, #tpu.memory_space<vmem>> -> memref<96x128xf32, #tpu.memory_space<vmem>>
      tpu.enqueue_dma source(%dma_start3A_112 : memref<96x128xf32, #tpu.memory_space<vmem>>) target(%dma_start3A_109 : memref<96x128xf32, #tpu.memory_space<vmem_shared>>) target_semaphore(%run_scoped3A : memref<!tpu.dma_semaphore, #tpu.memory_space<semaphore_mem>>)
      %dma_wait3A_113 = arith.constant 0 : i32
      %dma_wait3A_114 = arith.constant 0 : i32
      %dma_wait3A_115 = tpu.memref_slice %arg14[%dma_wait3A_113, %dma_wait3A_114] : memref<96x128xf32, #tpu.memory_space<vmem>> -> memref<96x128xf32, #tpu.memory_space<vmem>>
      %dma_wait3A_116 = arith.constant 0 : i32
      %dma_wait3A_117 = tpu.memref_slice %arg20[%add3A_36, %dma_wait3A_116] : memref<10000x128xf32, #tpu.memory_space<vmem_shared>> -> memref<96x128xf32, #tpu.memory_space<vmem_shared>>
      %dma_wait3A_118 = arith.constant 0 : i32
      %dma_wait3A_119 = tpu.memref_slice %arg20[%add3A_36, %dma_wait3A_118] : memref<10000x128xf32, #tpu.memory_space<vmem_shared>> -> memref<96x128xf32, #tpu.memory_space<vmem_shared>>
      %dma_wait3A_120 = arith.constant 0 : i32
      %dma_wait3A_121 = arith.constant 0 : i32
      %dma_wait3A_122 = tpu.memref_slice %arg14[%dma_wait3A_120, %dma_wait3A_121] : memref<96x128xf32, #tpu.memory_space<vmem>> -> memref<96x128xf32, #tpu.memory_space<vmem>>
      tpu.wait_dma2 semaphore(%run_scoped3A : memref<!tpu.dma_semaphore, #tpu.memory_space<semaphore_mem>>) src(%dma_wait3A_122 : memref<96x128xf32, #tpu.memory_space<vmem>>) dst(%dma_wait3A_119 : memref<96x128xf32, #tpu.memory_space<vmem_shared>>)
      tpu.yield
    }) : () -> ()
    %mul3A_37 = arith.constant 624 : i32
    %mul3A_38 = arith.muli %arg1, %mul3A_37 : i32
    %add3A_39 = arith.constant 384 : i32
    %add3A_40 = arith.addi %mul3A_38, %add3A_39 : i32
    "tpu.region"() ({
      %run_scoped3A = tpu.sem_alloc : memref<!tpu.dma_semaphore, #tpu.memory_space<semaphore_mem>>
      %dma_start3A_103 = arith.constant 0 : i32
      %dma_start3A_104 = arith.constant 0 : i32
      %dma_start3A_105 = tpu.memref_slice %arg14[%dma_start3A_103, %dma_start3A_104] : memref<96x128xf32, #tpu.memory_space<vmem>> -> memref<96x128xf32, #tpu.memory_space<vmem>>
      %dma_start3A_106 = arith.constant 0 : i32
      %dma_start3A_107 = tpu.memref_slice %arg20[%add3A_40, %dma_start3A_106] : memref<10000x128xf32, #tpu.memory_space<vmem_shared>> -> memref<96x128xf32, #tpu.memory_space<vmem_shared>>
      %dma_start3A_108 = arith.constant 0 : i32
      %dma_start3A_109 = tpu.memref_slice %arg20[%add3A_40, %dma_start3A_108] : memref<10000x128xf32, #tpu.memory_space<vmem_shared>> -> memref<96x128xf32, #tpu.memory_space<vmem_shared>>
      %dma_start3A_110 = arith.constant 0 : i32
      %dma_start3A_111 = arith.constant 0 : i32
      %dma_start3A_112 = tpu.memref_slice %arg14[%dma_start3A_110, %dma_start3A_111] : memref<96x128xf32, #tpu.memory_space<vmem>> -> memref<96x128xf32, #tpu.memory_space<vmem>>
      tpu.enqueue_dma source(%dma_start3A_112 : memref<96x128xf32, #tpu.memory_space<vmem>>) target(%dma_start3A_109 : memref<96x128xf32, #tpu.memory_space<vmem_shared>>) target_semaphore(%run_scoped3A : memref<!tpu.dma_semaphore, #tpu.memory_space<semaphore_mem>>)
      %dma_wait3A_113 = arith.constant 0 : i32
      %dma_wait3A_114 = arith.constant 0 : i32
      %dma_wait3A_115 = tpu.memref_slice %arg14[%dma_wait3A_113, %dma_wait3A_114] : memref<96x128xf32, #tpu.memory_space<vmem>> -> memref<96x128xf32, #tpu.memory_space<vmem>>
      %dma_wait3A_116 = arith.constant 0 : i32
      %dma_wait3A_117 = tpu.memref_slice %arg20[%add3A_40, %dma_wait3A_116] : memref<10000x128xf32, #tpu.memory_space<vmem_shared>> -> memref<96x128xf32, #tpu.memory_space<vmem_shared>>
      %dma_wait3A_118 = arith.constant 0 : i32
      %dma_wait3A_119 = tpu.memref_slice %arg20[%add3A_40, %dma_wait3A_118] : memref<10000x128xf32, #tpu.memory_space<vmem_shared>> -> memref<96x128xf32, #tpu.memory_space<vmem_shared>>
      %dma_wait3A_120 = arith.constant 0 : i32
      %dma_wait3A_121 = arith.constant 0 : i32
      %dma_wait3A_122 = tpu.memref_slice %arg14[%dma_wait3A_120, %dma_wait3A_121] : memref<96x128xf32, #tpu.memory_space<vmem>> -> memref<96x128xf32, #tpu.memory_space<vmem>>
      tpu.wait_dma2 semaphore(%run_scoped3A : memref<!tpu.dma_semaphore, #tpu.memory_space<semaphore_mem>>) src(%dma_wait3A_122 : memref<96x128xf32, #tpu.memory_space<vmem>>) dst(%dma_wait3A_119 : memref<96x128xf32, #tpu.memory_space<vmem_shared>>)
      tpu.yield
    }) : () -> ()
    %mul3A_41 = arith.constant 624 : i32
    %mul3A_42 = arith.muli %arg1, %mul3A_41 : i32
    %add3A_43 = arith.constant 480 : i32
    %add3A_44 = arith.addi %mul3A_42, %add3A_43 : i32
    "tpu.region"() ({
      %run_scoped3A = tpu.sem_alloc : memref<!tpu.dma_semaphore, #tpu.memory_space<semaphore_mem>>
      %dma_start3A_103 = arith.constant 0 : i32
      %dma_start3A_104 = arith.constant 0 : i32
      %dma_start3A_105 = tpu.memref_slice %arg14[%dma_start3A_103, %dma_start3A_104] : memref<96x128xf32, #tpu.memory_space<vmem>> -> memref<96x128xf32, #tpu.memory_space<vmem>>
      %dma_start3A_106 = arith.constant 0 : i32
      %dma_start3A_107 = tpu.memref_slice %arg20[%add3A_44, %dma_start3A_106] : memref<10000x128xf32, #tpu.memory_space<vmem_shared>> -> memref<96x128xf32, #tpu.memory_space<vmem_shared>>
      %dma_start3A_108 = arith.constant 0 : i32
      %dma_start3A_109 = tpu.memref_slice %arg20[%add3A_44, %dma_start3A_108] : memref<10000x128xf32, #tpu.memory_space<vmem_shared>> -> memref<96x128xf32, #tpu.memory_space<vmem_shared>>
      %dma_start3A_110 = arith.constant 0 : i32
      %dma_start3A_111 = arith.constant 0 : i32
      %dma_start3A_112 = tpu.memref_slice %arg14[%dma_start3A_110, %dma_start3A_111] : memref<96x128xf32, #tpu.memory_space<vmem>> -> memref<96x128xf32, #tpu.memory_space<vmem>>
      tpu.enqueue_dma source(%dma_start3A_112 : memref<96x128xf32, #tpu.memory_space<vmem>>) target(%dma_start3A_109 : memref<96x128xf32, #tpu.memory_space<vmem_shared>>) target_semaphore(%run_scoped3A : memref<!tpu.dma_semaphore, #tpu.memory_space<semaphore_mem>>)
      %dma_wait3A_113 = arith.constant 0 : i32
      %dma_wait3A_114 = arith.constant 0 : i32
      %dma_wait3A_115 = tpu.memref_slice %arg14[%dma_wait3A_113, %dma_wait3A_114] : memref<96x128xf32, #tpu.memory_space<vmem>> -> memref<96x128xf32, #tpu.memory_space<vmem>>
      %dma_wait3A_116 = arith.constant 0 : i32
      %dma_wait3A_117 = tpu.memref_slice %arg20[%add3A_44, %dma_wait3A_116] : memref<10000x128xf32, #tpu.memory_space<vmem_shared>> -> memref<96x128xf32, #tpu.memory_space<vmem_shared>>
      %dma_wait3A_118 = arith.constant 0 : i32
      %dma_wait3A_119 = tpu.memref_slice %arg20[%add3A_44, %dma_wait3A_118] : memref<10000x128xf32, #tpu.memory_space<vmem_shared>> -> memref<96x128xf32, #tpu.memory_space<vmem_shared>>
      %dma_wait3A_120 = arith.constant 0 : i32
      %dma_wait3A_121 = arith.constant 0 : i32
      %dma_wait3A_122 = tpu.memref_slice %arg14[%dma_wait3A_120, %dma_wait3A_121] : memref<96x128xf32, #tpu.memory_space<vmem>> -> memref<96x128xf32, #tpu.memory_space<vmem>>
      tpu.wait_dma2 semaphore(%run_scoped3A : memref<!tpu.dma_semaphore, #tpu.memory_space<semaphore_mem>>) src(%dma_wait3A_122 : memref<96x128xf32, #tpu.memory_space<vmem>>) dst(%dma_wait3A_119 : memref<96x128xf32, #tpu.memory_space<vmem_shared>>)
      tpu.yield
    }) : () -> ()
    %mul3A_45 = arith.constant 624 : i32
    %mul3A_46 = arith.muli %arg1, %mul3A_45 : i32
    %add3A_47 = arith.constant 576 : i32
    %add3A_48 = arith.addi %mul3A_46, %add3A_47 : i32
    "tpu.region"() ({
      %run_scoped3A = tpu.sem_alloc : memref<!tpu.dma_semaphore, #tpu.memory_space<semaphore_mem>>
      %dma_start3A_103 = arith.constant 0 : i32
      %dma_start3A_104 = arith.constant 0 : i32
      %dma_start3A_105 = tpu.memref_slice %arg14[%dma_start3A_103, %dma_start3A_104] : memref<96x128xf32, #tpu.memory_space<vmem>> -> memref<48x128xf32, #tpu.memory_space<vmem>>
      %dma_start3A_106 = arith.constant 0 : i32
      %dma_start3A_107 = tpu.memref_slice %arg20[%add3A_48, %dma_start3A_106] : memref<10000x128xf32, #tpu.memory_space<vmem_shared>> -> memref<48x128xf32, #tpu.memory_space<vmem_shared>>
      %dma_start3A_108 = arith.constant 0 : i32
      %dma_start3A_109 = tpu.memref_slice %arg20[%add3A_48, %dma_start3A_108] : memref<10000x128xf32, #tpu.memory_space<vmem_shared>> -> memref<48x128xf32, #tpu.memory_space<vmem_shared>>
      %dma_start3A_110 = arith.constant 0 : i32
      %dma_start3A_111 = arith.constant 0 : i32
      %dma_start3A_112 = tpu.memref_slice %arg14[%dma_start3A_110, %dma_start3A_111] : memref<96x128xf32, #tpu.memory_space<vmem>> -> memref<48x128xf32, #tpu.memory_space<vmem>>
      tpu.enqueue_dma source(%dma_start3A_112 : memref<48x128xf32, #tpu.memory_space<vmem>>) target(%dma_start3A_109 : memref<48x128xf32, #tpu.memory_space<vmem_shared>>) target_semaphore(%run_scoped3A : memref<!tpu.dma_semaphore, #tpu.memory_space<semaphore_mem>>)
      %dma_wait3A_113 = arith.constant 0 : i32
      %dma_wait3A_114 = arith.constant 0 : i32
      %dma_wait3A_115 = tpu.memref_slice %arg14[%dma_wait3A_113, %dma_wait3A_114] : memref<96x128xf32, #tpu.memory_space<vmem>> -> memref<48x128xf32, #tpu.memory_space<vmem>>
      %dma_wait3A_116 = arith.constant 0 : i32
      %dma_wait3A_117 = tpu.memref_slice %arg20[%add3A_48, %dma_wait3A_116] : memref<10000x128xf32, #tpu.memory_space<vmem_shared>> -> memref<48x128xf32, #tpu.memory_space<vmem_shared>>
      %dma_wait3A_118 = arith.constant 0 : i32
      %dma_wait3A_119 = tpu.memref_slice %arg20[%add3A_48, %dma_wait3A_118] : memref<10000x128xf32, #tpu.memory_space<vmem_shared>> -> memref<48x128xf32, #tpu.memory_space<vmem_shared>>
      %dma_wait3A_120 = arith.constant 0 : i32
      %dma_wait3A_121 = arith.constant 0 : i32
      %dma_wait3A_122 = tpu.memref_slice %arg14[%dma_wait3A_120, %dma_wait3A_121] : memref<96x128xf32, #tpu.memory_space<vmem>> -> memref<48x128xf32, #tpu.memory_space<vmem>>
      tpu.wait_dma2 semaphore(%run_scoped3A : memref<!tpu.dma_semaphore, #tpu.memory_space<semaphore_mem>>) src(%dma_wait3A_122 : memref<48x128xf32, #tpu.memory_space<vmem>>) dst(%dma_wait3A_119 : memref<48x128xf32, #tpu.memory_space<vmem_shared>>)
      tpu.yield
    }) : () -> ()
    %eq3A = arith.constant 15 : i32
    %eq3A_49 = arith.cmpi eq, %arg1, %eq3A : i32
    %convert_element_type3A = arith.extui %eq3A_49 : i1 to i32
    %cond3A = arith.constant 0 : i32
    %cond3A_50 = arith.cmpi ne, %convert_element_type3A, %cond3A : i32
    scf.if %cond3A_50 {
      "tpu.region"() ({
        %run_scoped3A = tpu.sem_alloc : memref<!tpu.dma_semaphore, #tpu.memory_space<semaphore_mem>>
        %dma_start3A_103 = arith.constant 0 : i32
        %dma_start3A_104 = arith.constant 0 : i32
        %dma_start3A_105 = tpu.memref_slice %arg14[%dma_start3A_103, %dma_start3A_104] : memref<96x128xf32, #tpu.memory_space<vmem>> -> memref<16x128xf32, #tpu.memory_space<vmem>>
        %dma_start3A_106 = arith.constant 9984 : i32
        %dma_start3A_107 = arith.constant 0 : i32
        %dma_start3A_108 = tpu.memref_slice %arg20[%dma_start3A_106, %dma_start3A_107] : memref<10000x128xf32, #tpu.memory_space<vmem_shared>> -> memref<16x128xf32, #tpu.memory_space<vmem_shared>>
        %dma_start3A_109 = arith.constant 9984 : i32
        %dma_start3A_110 = arith.constant 0 : i32
        %dma_start3A_111 = tpu.memref_slice %arg20[%dma_start3A_109, %dma_start3A_110] : memref<10000x128xf32, #tpu.memory_space<vmem_shared>> -> memref<16x128xf32, #tpu.memory_space<vmem_shared>>
        %dma_start3A_112 = arith.constant 0 : i32
        %dma_start3A_113 = arith.constant 0 : i32
        %dma_start3A_114 = tpu.memref_slice %arg14[%dma_start3A_112, %dma_start3A_113] : memref<96x128xf32, #tpu.memory_space<vmem>> -> memref<16x128xf32, #tpu.memory_space<vmem>>
        tpu.enqueue_dma source(%dma_start3A_114 : memref<16x128xf32, #tpu.memory_space<vmem>>) target(%dma_start3A_111 : memref<16x128xf32, #tpu.memory_space<vmem_shared>>) target_semaphore(%run_scoped3A : memref<!tpu.dma_semaphore, #tpu.memory_space<semaphore_mem>>)
        %dma_wait3A_115 = arith.constant 0 : i32
        %dma_wait3A_116 = arith.constant 0 : i32
        %dma_wait3A_117 = tpu.memref_slice %arg14[%dma_wait3A_115, %dma_wait3A_116] : memref<96x128xf32, #tpu.memory_space<vmem>> -> memref<16x128xf32, #tpu.memory_space<vmem>>
        %dma_wait3A_118 = arith.constant 9984 : i32
        %dma_wait3A_119 = arith.constant 0 : i32
        %dma_wait3A_120 = tpu.memref_slice %arg20[%dma_wait3A_118, %dma_wait3A_119] : memref<10000x128xf32, #tpu.memory_space<vmem_shared>> -> memref<16x128xf32, #tpu.memory_space<vmem_shared>>
        %dma_wait3A_121 = arith.constant 9984 : i32
        %dma_wait3A_122 = arith.constant 0 : i32
        %dma_wait3A_123 = tpu.memref_slice %arg20[%dma_wait3A_121, %dma_wait3A_122] : memref<10000x128xf32, #tpu.memory_space<vmem_shared>> -> memref<16x128xf32, #tpu.memory_space<vmem_shared>>
        %dma_wait3A_124 = arith.constant 0 : i32
        %dma_wait3A_125 = arith.constant 0 : i32
        %dma_wait3A_126 = tpu.memref_slice %arg14[%dma_wait3A_124, %dma_wait3A_125] : memref<96x128xf32, #tpu.memory_space<vmem>> -> memref<16x128xf32, #tpu.memory_space<vmem>>
        tpu.wait_dma2 semaphore(%run_scoped3A : memref<!tpu.dma_semaphore, #tpu.memory_space<semaphore_mem>>) src(%dma_wait3A_126 : memref<16x128xf32, #tpu.memory_space<vmem>>) dst(%dma_wait3A_123 : memref<16x128xf32, #tpu.memory_space<vmem_shared>>)
        tpu.yield
      }) : () -> ()
    } else {
    }
    %barrier3A = arith.constant 0 : index
    tpu.barrier barrier_id(%barrier3A)
    %broadcast_in_dim3A_51 = arith.constant 1.000000e+00 : f32
    %broadcast_in_dim3A_52 = vector.broadcast %broadcast_in_dim3A_51 : f32 to vector<16xf32>
    "tpu.region"() ({
      %run_scoped3A = tpu.sem_alloc : memref<!tpu.dma_semaphore, #tpu.memory_space<semaphore_mem>>
      %dma_start3A_103 = tpu.memref_slice %arg3[%mul3A_2] : memref<640000xi32, #tpu.memory_space<hbm>> -> memref<96xi32, #tpu.memory_space<hbm>>
      %dma_start3A_104 = tpu.memref_slice %arg3[%mul3A_2] : memref<640000xi32, #tpu.memory_space<hbm>> -> memref<96xi32, #tpu.memory_space<hbm>>
      tpu.enqueue_dma source(%dma_start3A_104 : memref<96xi32, #tpu.memory_space<hbm>>) target(%arg6 : memref<96xi32, #tpu.memory_space<vmem>>) target_semaphore(%run_scoped3A : memref<!tpu.dma_semaphore, #tpu.memory_space<semaphore_mem>>)
      %dma_wait3A_105 = tpu.memref_slice %arg3[%mul3A_2] : memref<640000xi32, #tpu.memory_space<hbm>> -> memref<96xi32, #tpu.memory_space<hbm>>
      %dma_wait3A_106 = tpu.memref_slice %arg3[%mul3A_2] : memref<640000xi32, #tpu.memory_space<hbm>> -> memref<96xi32, #tpu.memory_space<hbm>>
      tpu.wait_dma2 semaphore(%run_scoped3A : memref<!tpu.dma_semaphore, #tpu.memory_space<semaphore_mem>>) src(%dma_wait3A_106 : memref<96xi32, #tpu.memory_space<hbm>>) dst(%arg6 : memref<96xi32, #tpu.memory_space<vmem>>)
      tpu.yield
    }) : () -> ()
    "tpu.region"() ({
      %run_scoped3A = tpu.sem_alloc : memref<!tpu.dma_semaphore, #tpu.memory_space<semaphore_mem>>
      %dma_start3A_103 = tpu.memref_slice %arg3[%add3A_6] : memref<640000xi32, #tpu.memory_space<hbm>> -> memref<96xi32, #tpu.memory_space<hbm>>
      %dma_start3A_104 = tpu.memref_slice %arg3[%add3A_6] : memref<640000xi32, #tpu.memory_space<hbm>> -> memref<96xi32, #tpu.memory_space<hbm>>
      tpu.enqueue_dma source(%dma_start3A_104 : memref<96xi32, #tpu.memory_space<hbm>>) target(%arg10 : memref<96xi32, #tpu.memory_space<vmem>>) target_semaphore(%run_scoped3A : memref<!tpu.dma_semaphore, #tpu.memory_space<semaphore_mem>>)
      %dma_wait3A_105 = tpu.memref_slice %arg3[%add3A_6] : memref<640000xi32, #tpu.memory_space<hbm>> -> memref<96xi32, #tpu.memory_space<hbm>>
      %dma_wait3A_106 = tpu.memref_slice %arg3[%add3A_6] : memref<640000xi32, #tpu.memory_space<hbm>> -> memref<96xi32, #tpu.memory_space<hbm>>
      tpu.wait_dma2 semaphore(%run_scoped3A : memref<!tpu.dma_semaphore, #tpu.memory_space<semaphore_mem>>) src(%dma_wait3A_106 : memref<96xi32, #tpu.memory_space<hbm>>) dst(%arg10 : memref<96xi32, #tpu.memory_space<vmem>>)
      tpu.yield
    }) : () -> ()
    %add3A_53 = arith.constant 96 : i32
    %add3A_54 = arith.addi %mul3A_2, %add3A_53 : i32
    %dma_start3A = tpu.memref_slice %arg3[%add3A_54] : memref<640000xi32, #tpu.memory_space<hbm>> -> memref<96xi32, #tpu.memory_space<hbm>>
    %dma_start3A_55 = tpu.memref_slice %arg3[%add3A_54] : memref<640000xi32, #tpu.memory_space<hbm>> -> memref<96xi32, #tpu.memory_space<hbm>>
    tpu.enqueue_dma source(%dma_start3A_55 : memref<96xi32, #tpu.memory_space<hbm>>) target(%arg7 : memref<96xi32, #tpu.memory_space<vmem>>) target_semaphore(%arg22 : memref<!tpu.dma_semaphore, #tpu.memory_space<semaphore_mem>>)
    %add3A_56 = arith.constant 96 : i32
    %add3A_57 = arith.addi %add3A_6, %add3A_56 : i32
    %dma_start3A_58 = tpu.memref_slice %arg3[%add3A_57] : memref<640000xi32, #tpu.memory_space<hbm>> -> memref<96xi32, #tpu.memory_space<hbm>>
    %dma_start3A_59 = tpu.memref_slice %arg3[%add3A_57] : memref<640000xi32, #tpu.memory_space<hbm>> -> memref<96xi32, #tpu.memory_space<hbm>>
    tpu.enqueue_dma source(%dma_start3A_59 : memref<96xi32, #tpu.memory_space<hbm>>) target(%arg11 : memref<96xi32, #tpu.memory_space<vmem>>) target_semaphore(%arg22 : memref<!tpu.dma_semaphore, #tpu.memory_space<semaphore_mem>>)
    %dma_start3A_60 = arith.constant 0 : i32
    %dma_start3A_61 = arith.constant 0 : i32
    %dma_start3A_62 = tpu.memref_slice %arg20[%dma_start3A_60, %dma_start3A_61] : memref<10000x128xf32, #tpu.memory_space<vmem_shared>> -> memref<10000x128xf32, #tpu.memory_space<vmem_shared>>
    tpu.enqueue_indirect_dma source(%arg15 : memref<96x128xf32, #tpu.memory_space<vmem>>) target(%dma_start3A_62 : memref<10000x128xf32, #tpu.memory_space<vmem_shared>>) offsets(%arg10 : memref<96xi32, #tpu.memory_space<vmem>>) semaphore(%arg28 : memref<!tpu.dma_semaphore, #tpu.memory_space<semaphore_mem>>) {add = true}
    %dma_start3A_63 = arith.constant 0 : i32
    %dma_start3A_64 = arith.constant 0 : i32
    %dma_start3A_65 = tpu.memref_slice %arg2[%dma_start3A_63, %dma_start3A_64] : memref<10000x128xf32, #tpu.memory_space<hbm>> -> memref<10000x128xf32, #tpu.memory_space<hbm>>
    tpu.enqueue_indirect_dma source(%dma_start3A_65 : memref<10000x128xf32, #tpu.memory_space<hbm>>) target(%arg14 : memref<96x128xf32, #tpu.memory_space<vmem>>) offsets(%arg6 : memref<96xi32, #tpu.memory_space<vmem>>) semaphore(%arg25 : memref<!tpu.dma_semaphore, #tpu.memory_space<semaphore_mem>>)
    %scan3A_66 = arith.constant 0 : i32
    %scan3A_67 = arith.constant 0 : i32
    %scan3A_68 = arith.constant 26 : i32
    %scan3A_69 = arith.addi %scan3A_67, %scan3A_68 : i32
    %scan3A_70 = arith.constant 1 : i32
    %scan3A_71 = scf.for %scan3A_103 = %scan3A_67 to %scan3A_69 step %scan3A_70 iter_args(%scan3A_104 = %scan3A_66) -> (i32)  : i32 {
      %mul3A_105 = arith.constant 4 : i32
      %mul3A_106 = arith.muli %mul3A_105, %scan3A_103 : i32
      %add3A_107 = arith.constant 0 : i32
      %add3A_108 = arith.addi %mul3A_106, %add3A_107 : i32
      %get3A_109 = arith.constant 0 : index
      %get3A_110 = tpu.vector_load %arg10[%get3A_109] {strides = array<i32>} : memref<96xi32, #tpu.memory_space<vmem>>, vector<16xi32>,
      tpu.vector_store_idx %arg19[%get3A_110], %broadcast_in_dim3A_52 {add = true} : memref<10000xf32, #tpu.memory_space<vmem>>[vector<16xi32>], vector<16xf32>,
      %get3A_111 = arith.constant 16 : index
      %get3A_112 = tpu.vector_load %arg10[%get3A_111] {strides = array<i32>} : memref<96xi32, #tpu.memory_space<vmem>>, vector<16xi32>,
      tpu.vector_store_idx %arg19[%get3A_112], %broadcast_in_dim3A_52 {add = true} : memref<10000xf32, #tpu.memory_space<vmem>>[vector<16xi32>], vector<16xf32>,
      %get3A_113 = arith.constant 32 : index
      %get3A_114 = tpu.vector_load %arg10[%get3A_113] {strides = array<i32>} : memref<96xi32, #tpu.memory_space<vmem>>, vector<16xi32>,
      tpu.vector_store_idx %arg19[%get3A_114], %broadcast_in_dim3A_52 {add = true} : memref<10000xf32, #tpu.memory_space<vmem>>[vector<16xi32>], vector<16xf32>,
      %get3A_115 = arith.constant 48 : index
      %get3A_116 = tpu.vector_load %arg10[%get3A_115] {strides = array<i32>} : memref<96xi32, #tpu.memory_space<vmem>>, vector<16xi32>,
      tpu.vector_store_idx %arg19[%get3A_116], %broadcast_in_dim3A_52 {add = true} : memref<10000xf32, #tpu.memory_space<vmem>>[vector<16xi32>], vector<16xf32>,
      %get3A_117 = arith.constant 64 : index
      %get3A_118 = tpu.vector_load %arg10[%get3A_117] {strides = array<i32>} : memref<96xi32, #tpu.memory_space<vmem>>, vector<16xi32>,
      tpu.vector_store_idx %arg19[%get3A_118], %broadcast_in_dim3A_52 {add = true} : memref<10000xf32, #tpu.memory_space<vmem>>[vector<16xi32>], vector<16xf32>,
      %get3A_119 = arith.constant 80 : index
      %get3A_120 = tpu.vector_load %arg10[%get3A_119] {strides = array<i32>} : memref<96xi32, #tpu.memory_space<vmem>>, vector<16xi32>,
      tpu.vector_store_idx %arg19[%get3A_120], %broadcast_in_dim3A_52 {add = true} : memref<10000xf32, #tpu.memory_space<vmem>>[vector<16xi32>], vector<16xf32>,
      %add3A_121 = arith.constant 2 : i32
      %add3A_122 = arith.addi %add3A_108, %add3A_121 : i32
      %min3A = arith.constant 103 : i32
      %min3A_123 = arith.minsi %add3A_122, %min3A : i32
      %mul3A_124 = arith.constant 96 : i32
      %mul3A_125 = arith.muli %min3A_123, %mul3A_124 : i32
      %add3A_126 = arith.addi %mul3A_2, %mul3A_125 : i32
      %dma_start3A_127 = tpu.memref_slice %arg3[%add3A_126] : memref<640000xi32, #tpu.memory_space<hbm>> -> memref<96xi32, #tpu.memory_space<hbm>>
      %dma_start3A_128 = tpu.memref_slice %arg3[%add3A_126] : memref<640000xi32, #tpu.memory_space<hbm>> -> memref<96xi32, #tpu.memory_space<hbm>>
      tpu.enqueue_dma source(%dma_start3A_128 : memref<96xi32, #tpu.memory_space<hbm>>) target(%arg8 : memref<96xi32, #tpu.memory_space<vmem>>) target_semaphore(%arg23 : memref<!tpu.dma_semaphore, #tpu.memory_space<semaphore_mem>>)
      %mul3A_129 = arith.constant 96 : i32
      %mul3A_130 = arith.muli %min3A_123, %mul3A_129 : i32
      %add3A_131 = arith.addi %add3A_6, %mul3A_130 : i32
      %dma_start3A_132 = tpu.memref_slice %arg3[%add3A_131] : memref<640000xi32, #tpu.memory_space<hbm>> -> memref<96xi32, #tpu.memory_space<hbm>>
      %dma_start3A_133 = tpu.memref_slice %arg3[%add3A_131] : memref<640000xi32, #tpu.memory_space<hbm>> -> memref<96xi32, #tpu.memory_space<hbm>>
      tpu.enqueue_dma source(%dma_start3A_133 : memref<96xi32, #tpu.memory_space<hbm>>) target(%arg12 : memref<96xi32, #tpu.memory_space<vmem>>) target_semaphore(%arg23 : memref<!tpu.dma_semaphore, #tpu.memory_space<semaphore_mem>>)
      %dma_wait3A_134 = arith.constant 0 : i32
      %dma_wait3A_135 = arith.constant 0 : i32
      %dma_wait3A_136 = tpu.memref_slice %arg20[%dma_wait3A_134, %dma_wait3A_135] : memref<10000x128xf32, #tpu.memory_space<vmem_shared>> -> memref<10000x128xf32, #tpu.memory_space<vmem_shared>>
      tpu.wait_indirect_dma semaphore(%arg28 : memref<!tpu.dma_semaphore, #tpu.memory_space<semaphore_mem>>) src(%arg15 : memref<96x128xf32, #tpu.memory_space<vmem>>) dst(%dma_wait3A_136 : memref<10000x128xf32, #tpu.memory_space<vmem_shared>>)
      %dma_wait3A_137 = tpu.memref_slice %arg3[%mul3A_2] : memref<640000xi32, #tpu.memory_space<hbm>> -> memref<96xi32, #tpu.memory_space<hbm>>
      %dma_wait3A_138 = tpu.memref_slice %arg3[%mul3A_2] : memref<640000xi32, #tpu.memory_space<hbm>> -> memref<96xi32, #tpu.memory_space<hbm>>
      tpu.wait_dma2 semaphore(%arg22 : memref<!tpu.dma_semaphore, #tpu.memory_space<semaphore_mem>>) src(%dma_wait3A_138 : memref<96xi32, #tpu.memory_space<hbm>>) dst(%arg7 : memref<96xi32, #tpu.memory_space<vmem>>)
      %dma_wait3A_139 = tpu.memref_slice %arg3[%add3A_6] : memref<640000xi32, #tpu.memory_space<hbm>> -> memref<96xi32, #tpu.memory_space<hbm>>
      %dma_wait3A_140 = tpu.memref_slice %arg3[%add3A_6] : memref<640000xi32, #tpu.memory_space<hbm>> -> memref<96xi32, #tpu.memory_space<hbm>>
      tpu.wait_dma2 semaphore(%arg22 : memref<!tpu.dma_semaphore, #tpu.memory_space<semaphore_mem>>) src(%dma_wait3A_140 : memref<96xi32, #tpu.memory_space<hbm>>) dst(%arg11 : memref<96xi32, #tpu.memory_space<vmem>>)
      %dma_start3A_141 = arith.constant 0 : i32
      %dma_start3A_142 = arith.constant 0 : i32
      %dma_start3A_143 = tpu.memref_slice %arg2[%dma_start3A_141, %dma_start3A_142] : memref<10000x128xf32, #tpu.memory_space<hbm>> -> memref<10000x128xf32, #tpu.memory_space<hbm>>
      tpu.enqueue_indirect_dma source(%dma_start3A_143 : memref<10000x128xf32, #tpu.memory_space<hbm>>) target(%arg15 : memref<96x128xf32, #tpu.memory_space<vmem>>) offsets(%arg7 : memref<96xi32, #tpu.memory_space<vmem>>) semaphore(%arg26 : memref<!tpu.dma_semaphore, #tpu.memory_space<semaphore_mem>>)
      %dma_wait3A_144 = arith.constant 0 : i32
      %dma_wait3A_145 = arith.constant 0 : i32
      %dma_wait3A_146 = tpu.memref_slice %arg2[%dma_wait3A_144, %dma_wait3A_145] : memref<10000x128xf32, #tpu.memory_space<hbm>> -> memref<10000x128xf32, #tpu.memory_space<hbm>>
      tpu.wait_indirect_dma semaphore(%arg25 : memref<!tpu.dma_semaphore, #tpu.memory_space<semaphore_mem>>) src(%dma_wait3A_146 : memref<10000x128xf32, #tpu.memory_space<hbm>>) dst(%arg14 : memref<96x128xf32, #tpu.memory_space<vmem>>)
      %dma_start3A_147 = arith.constant 0 : i32
      %dma_start3A_148 = arith.constant 0 : i32
      %dma_start3A_149 = tpu.memref_slice %arg20[%dma_start3A_147, %dma_start3A_148] : memref<10000x128xf32, #tpu.memory_space<vmem_shared>> -> memref<10000x128xf32, #tpu.memory_space<vmem_shared>>
      tpu.enqueue_indirect_dma source(%arg14 : memref<96x128xf32, #tpu.memory_space<vmem>>) target(%dma_start3A_149 : memref<10000x128xf32, #tpu.memory_space<vmem_shared>>) offsets(%arg10 : memref<96xi32, #tpu.memory_space<vmem>>) semaphore(%arg27 : memref<!tpu.dma_semaphore, #tpu.memory_space<semaphore_mem>>) {add = true}
      %mul3A_150 = arith.constant 4 : i32
      %mul3A_151 = arith.muli %mul3A_150, %scan3A_103 : i32
      %add3A_152 = arith.constant 1 : i32
      %add3A_153 = arith.addi %mul3A_151, %add3A_152 : i32
      %get3A_154 = arith.constant 0 : index
      %get3A_155 = tpu.vector_load %arg11[%get3A_154] {strides = array<i32>} : memref<96xi32, #tpu.memory_space<vmem>>, vector<16xi32>,
      tpu.vector_store_idx %arg19[%get3A_155], %broadcast_in_dim3A_52 {add = true} : memref<10000xf32, #tpu.memory_space<vmem>>[vector<16xi32>], vector<16xf32>,
      %get3A_156 = arith.constant 16 : index
      %get3A_157 = tpu.vector_load %arg11[%get3A_156] {strides = array<i32>} : memref<96xi32, #tpu.memory_space<vmem>>, vector<16xi32>,
      tpu.vector_store_idx %arg19[%get3A_157], %broadcast_in_dim3A_52 {add = true} : memref<10000xf32, #tpu.memory_space<vmem>>[vector<16xi32>], vector<16xf32>,
      %get3A_158 = arith.constant 32 : index
      %get3A_159 = tpu.vector_load %arg11[%get3A_158] {strides = array<i32>} : memref<96xi32, #tpu.memory_space<vmem>>, vector<16xi32>,
      tpu.vector_store_idx %arg19[%get3A_159], %broadcast_in_dim3A_52 {add = true} : memref<10000xf32, #tpu.memory_space<vmem>>[vector<16xi32>], vector<16xf32>,
      %get3A_160 = arith.constant 48 : index
      %get3A_161 = tpu.vector_load %arg11[%get3A_160] {strides = array<i32>} : memref<96xi32, #tpu.memory_space<vmem>>, vector<16xi32>,
      tpu.vector_store_idx %arg19[%get3A_161], %broadcast_in_dim3A_52 {add = true} : memref<10000xf32, #tpu.memory_space<vmem>>[vector<16xi32>], vector<16xf32>,
      %get3A_162 = arith.constant 64 : index
      %get3A_163 = tpu.vector_load %arg11[%get3A_162] {strides = array<i32>} : memref<96xi32, #tpu.memory_space<vmem>>, vector<16xi32>,
      tpu.vector_store_idx %arg19[%get3A_163], %broadcast_in_dim3A_52 {add = true} : memref<10000xf32, #tpu.memory_space<vmem>>[vector<16xi32>], vector<16xf32>,
      %get3A_164 = arith.constant 80 : index
      %get3A_165 = tpu.vector_load %arg11[%get3A_164] {strides = array<i32>} : memref<96xi32, #tpu.memory_space<vmem>>, vector<16xi32>,
      tpu.vector_store_idx %arg19[%get3A_165], %broadcast_in_dim3A_52 {add = true} : memref<10000xf32, #tpu.memory_space<vmem>>[vector<16xi32>], vector<16xf32>,
      %add3A_166 = arith.constant 2 : i32
      %add3A_167 = arith.addi %add3A_153, %add3A_166 : i32
      %min3A_168 = arith.constant 103 : i32
      %min3A_169 = arith.minsi %add3A_167, %min3A_168 : i32
      %mul3A_170 = arith.constant 96 : i32
      %mul3A_171 = arith.muli %min3A_169, %mul3A_170 : i32
      %add3A_172 = arith.addi %mul3A_2, %mul3A_171 : i32
      %dma_start3A_173 = tpu.memref_slice %arg3[%add3A_172] : memref<640000xi32, #tpu.memory_space<hbm>> -> memref<96xi32, #tpu.memory_space<hbm>>
      %dma_start3A_174 = tpu.memref_slice %arg3[%add3A_172] : memref<640000xi32, #tpu.memory_space<hbm>> -> memref<96xi32, #tpu.memory_space<hbm>>
      tpu.enqueue_dma source(%dma_start3A_174 : memref<96xi32, #tpu.memory_space<hbm>>) target(%arg9 : memref<96xi32, #tpu.memory_space<vmem>>) target_semaphore(%arg24 : memref<!tpu.dma_semaphore, #tpu.memory_space<semaphore_mem>>)
      %mul3A_175 = arith.constant 96 : i32
      %mul3A_176 = arith.muli %min3A_169, %mul3A_175 : i32
      %add3A_177 = arith.addi %add3A_6, %mul3A_176 : i32
      %dma_start3A_178 = tpu.memref_slice %arg3[%add3A_177] : memref<640000xi32, #tpu.memory_space<hbm>> -> memref<96xi32, #tpu.memory_space<hbm>>
      %dma_start3A_179 = tpu.memref_slice %arg3[%add3A_177] : memref<640000xi32, #tpu.memory_space<hbm>> -> memref<96xi32, #tpu.memory_space<hbm>>
      tpu.enqueue_dma source(%dma_start3A_179 : memref<96xi32, #tpu.memory_space<hbm>>) target(%arg13 : memref<96xi32, #tpu.memory_space<vmem>>) target_semaphore(%arg24 : memref<!tpu.dma_semaphore, #tpu.memory_space<semaphore_mem>>)
      %dma_wait3A_180 = arith.constant 0 : i32
      %dma_wait3A_181 = arith.constant 0 : i32
      %dma_wait3A_182 = tpu.memref_slice %arg20[%dma_wait3A_180, %dma_wait3A_181] : memref<10000x128xf32, #tpu.memory_space<vmem_shared>> -> memref<10000x128xf32, #tpu.memory_space<vmem_shared>>
      tpu.wait_indirect_dma semaphore(%arg27 : memref<!tpu.dma_semaphore, #tpu.memory_space<semaphore_mem>>) src(%arg14 : memref<96x128xf32, #tpu.memory_space<vmem>>) dst(%dma_wait3A_182 : memref<10000x128xf32, #tpu.memory_space<vmem_shared>>)
      %dma_wait3A_183 = tpu.memref_slice %arg3[%mul3A_2] : memref<640000xi32, #tpu.memory_space<hbm>> -> memref<96xi32, #tpu.memory_space<hbm>>
      %dma_wait3A_184 = tpu.memref_slice %arg3[%mul3A_2] : memref<640000xi32, #tpu.memory_space<hbm>> -> memref<96xi32, #tpu.memory_space<hbm>>
      tpu.wait_dma2 semaphore(%arg23 : memref<!tpu.dma_semaphore, #tpu.memory_space<semaphore_mem>>) src(%dma_wait3A_184 : memref<96xi32, #tpu.memory_space<hbm>>) dst(%arg8 : memref<96xi32, #tpu.memory_space<vmem>>)
      %dma_wait3A_185 = tpu.memref_slice %arg3[%add3A_6] : memref<640000xi32, #tpu.memory_space<hbm>> -> memref<96xi32, #tpu.memory_space<hbm>>
      %dma_wait3A_186 = tpu.memref_slice %arg3[%add3A_6] : memref<640000xi32, #tpu.memory_space<hbm>> -> memref<96xi32, #tpu.memory_space<hbm>>
      tpu.wait_dma2 semaphore(%arg23 : memref<!tpu.dma_semaphore, #tpu.memory_space<semaphore_mem>>) src(%dma_wait3A_186 : memref<96xi32, #tpu.memory_space<hbm>>) dst(%arg12 : memref<96xi32, #tpu.memory_space<vmem>>)
      %dma_start3A_187 = arith.constant 0 : i32
      %dma_start3A_188 = arith.constant 0 : i32
      %dma_start3A_189 = tpu.memref_slice %arg2[%dma_start3A_187, %dma_start3A_188] : memref<10000x128xf32, #tpu.memory_space<hbm>> -> memref<10000x128xf32, #tpu.memory_space<hbm>>
      tpu.enqueue_indirect_dma source(%dma_start3A_189 : memref<10000x128xf32, #tpu.memory_space<hbm>>) target(%arg14 : memref<96x128xf32, #tpu.memory_space<vmem>>) offsets(%arg8 : memref<96xi32, #tpu.memory_space<vmem>>) semaphore(%arg25 : memref<!tpu.dma_semaphore, #tpu.memory_space<semaphore_mem>>)
      %dma_wait3A_190 = arith.constant 0 : i32
      %dma_wait3A_191 = arith.constant 0 : i32
      %dma_wait3A_192 = tpu.memref_slice %arg2[%dma_wait3A_190, %dma_wait3A_191] : memref<10000x128xf32, #tpu.memory_space<hbm>> -> memref<10000x128xf32, #tpu.memory_space<hbm>>
      tpu.wait_indirect_dma semaphore(%arg26 : memref<!tpu.dma_semaphore, #tpu.memory_space<semaphore_mem>>) src(%dma_wait3A_192 : memref<10000x128xf32, #tpu.memory_space<hbm>>) dst(%arg15 : memref<96x128xf32, #tpu.memory_space<vmem>>)
      %dma_start3A_193 = arith.constant 0 : i32
      %dma_start3A_194 = arith.constant 0 : i32
      %dma_start3A_195 = tpu.memref_slice %arg20[%dma_start3A_193, %dma_start3A_194] : memref<10000x128xf32, #tpu.memory_space<vmem_shared>> -> memref<10000x128xf32, #tpu.memory_space<vmem_shared>>
      tpu.enqueue_indirect_dma source(%arg15 : memref<96x128xf32, #tpu.memory_space<vmem>>) target(%dma_start3A_195 : memref<10000x128xf32, #tpu.memory_space<vmem_shared>>) offsets(%arg11 : memref<96xi32, #tpu.memory_space<vmem>>) semaphore(%arg28 : memref<!tpu.dma_semaphore, #tpu.memory_space<semaphore_mem>>) {add = true}
      %mul3A_196 = arith.constant 4 : i32
      %mul3A_197 = arith.muli %mul3A_196, %scan3A_103 : i32
      %add3A_198 = arith.constant 2 : i32
      %add3A_199 = arith.addi %mul3A_197, %add3A_198 : i32
      %get3A_200 = arith.constant 0 : index
      %get3A_201 = tpu.vector_load %arg12[%get3A_200] {strides = array<i32>} : memref<96xi32, #tpu.memory_space<vmem>>, vector<16xi32>,
      tpu.vector_store_idx %arg19[%get3A_201], %broadcast_in_dim3A_52 {add = true} : memref<10000xf32, #tpu.memory_space<vmem>>[vector<16xi32>], vector<16xf32>,
      %get3A_202 = arith.constant 16 : index
      %get3A_203 = tpu.vector_load %arg12[%get3A_202] {strides = array<i32>} : memref<96xi32, #tpu.memory_space<vmem>>, vector<16xi32>,
      tpu.vector_store_idx %arg19[%get3A_203], %broadcast_in_dim3A_52 {add = true} : memref<10000xf32, #tpu.memory_space<vmem>>[vector<16xi32>], vector<16xf32>,
      %get3A_204 = arith.constant 32 : index
      %get3A_205 = tpu.vector_load %arg12[%get3A_204] {strides = array<i32>} : memref<96xi32, #tpu.memory_space<vmem>>, vector<16xi32>,
      tpu.vector_store_idx %arg19[%get3A_205], %broadcast_in_dim3A_52 {add = true} : memref<10000xf32, #tpu.memory_space<vmem>>[vector<16xi32>], vector<16xf32>,
      %get3A_206 = arith.constant 48 : index
      %get3A_207 = tpu.vector_load %arg12[%get3A_206] {strides = array<i32>} : memref<96xi32, #tpu.memory_space<vmem>>, vector<16xi32>,
      tpu.vector_store_idx %arg19[%get3A_207], %broadcast_in_dim3A_52 {add = true} : memref<10000xf32, #tpu.memory_space<vmem>>[vector<16xi32>], vector<16xf32>,
      %get3A_208 = arith.constant 64 : index
      %get3A_209 = tpu.vector_load %arg12[%get3A_208] {strides = array<i32>} : memref<96xi32, #tpu.memory_space<vmem>>, vector<16xi32>,
      tpu.vector_store_idx %arg19[%get3A_209], %broadcast_in_dim3A_52 {add = true} : memref<10000xf32, #tpu.memory_space<vmem>>[vector<16xi32>], vector<16xf32>,
      %get3A_210 = arith.constant 80 : index
      %get3A_211 = tpu.vector_load %arg12[%get3A_210] {strides = array<i32>} : memref<96xi32, #tpu.memory_space<vmem>>, vector<16xi32>,
      tpu.vector_store_idx %arg19[%get3A_211], %broadcast_in_dim3A_52 {add = true} : memref<10000xf32, #tpu.memory_space<vmem>>[vector<16xi32>], vector<16xf32>,
      %add3A_212 = arith.constant 2 : i32
      %add3A_213 = arith.addi %add3A_199, %add3A_212 : i32
      %min3A_214 = arith.constant 103 : i32
      %min3A_215 = arith.minsi %add3A_213, %min3A_214 : i32
      %mul3A_216 = arith.constant 96 : i32
      %mul3A_217 = arith.muli %min3A_215, %mul3A_216 : i32
      %add3A_218 = arith.addi %mul3A_2, %mul3A_217 : i32
      %dma_start3A_219 = tpu.memref_slice %arg3[%add3A_218] : memref<640000xi32, #tpu.memory_space<hbm>> -> memref<96xi32, #tpu.memory_space<hbm>>
      %dma_start3A_220 = tpu.memref_slice %arg3[%add3A_218] : memref<640000xi32, #tpu.memory_space<hbm>> -> memref<96xi32, #tpu.memory_space<hbm>>
      tpu.enqueue_dma source(%dma_start3A_220 : memref<96xi32, #tpu.memory_space<hbm>>) target(%arg6 : memref<96xi32, #tpu.memory_space<vmem>>) target_semaphore(%arg21 : memref<!tpu.dma_semaphore, #tpu.memory_space<semaphore_mem>>)
      %mul3A_221 = arith.constant 96 : i32
      %mul3A_222 = arith.muli %min3A_215, %mul3A_221 : i32
      %add3A_223 = arith.addi %add3A_6, %mul3A_222 : i32
      %dma_start3A_224 = tpu.memref_slice %arg3[%add3A_223] : memref<640000xi32, #tpu.memory_space<hbm>> -> memref<96xi32, #tpu.memory_space<hbm>>
      %dma_start3A_225 = tpu.memref_slice %arg3[%add3A_223] : memref<640000xi32, #tpu.memory_space<hbm>> -> memref<96xi32, #tpu.memory_space<hbm>>
      tpu.enqueue_dma source(%dma_start3A_225 : memref<96xi32, #tpu.memory_space<hbm>>) target(%arg10 : memref<96xi32, #tpu.memory_space<vmem>>) target_semaphore(%arg21 : memref<!tpu.dma_semaphore, #tpu.memory_space<semaphore_mem>>)
      %dma_wait3A_226 = arith.constant 0 : i32
      %dma_wait3A_227 = arith.constant 0 : i32
      %dma_wait3A_228 = tpu.memref_slice %arg20[%dma_wait3A_226, %dma_wait3A_227] : memref<10000x128xf32, #tpu.memory_space<vmem_shared>> -> memref<10000x128xf32, #tpu.memory_space<vmem_shared>>
      tpu.wait_indirect_dma semaphore(%arg28 : memref<!tpu.dma_semaphore, #tpu.memory_space<semaphore_mem>>) src(%arg15 : memref<96x128xf32, #tpu.memory_space<vmem>>) dst(%dma_wait3A_228 : memref<10000x128xf32, #tpu.memory_space<vmem_shared>>)
      %dma_wait3A_229 = tpu.memref_slice %arg3[%mul3A_2] : memref<640000xi32, #tpu.memory_space<hbm>> -> memref<96xi32, #tpu.memory_space<hbm>>
      %dma_wait3A_230 = tpu.memref_slice %arg3[%mul3A_2] : memref<640000xi32, #tpu.memory_space<hbm>> -> memref<96xi32, #tpu.memory_space<hbm>>
      tpu.wait_dma2 semaphore(%arg24 : memref<!tpu.dma_semaphore, #tpu.memory_space<semaphore_mem>>) src(%dma_wait3A_230 : memref<96xi32, #tpu.memory_space<hbm>>) dst(%arg9 : memref<96xi32, #tpu.memory_space<vmem>>)
      %dma_wait3A_231 = tpu.memref_slice %arg3[%add3A_6] : memref<640000xi32, #tpu.memory_space<hbm>> -> memref<96xi32, #tpu.memory_space<hbm>>
      %dma_wait3A_232 = tpu.memref_slice %arg3[%add3A_6] : memref<640000xi32, #tpu.memory_space<hbm>> -> memref<96xi32, #tpu.memory_space<hbm>>
      tpu.wait_dma2 semaphore(%arg24 : memref<!tpu.dma_semaphore, #tpu.memory_space<semaphore_mem>>) src(%dma_wait3A_232 : memref<96xi32, #tpu.memory_space<hbm>>) dst(%arg13 : memref<96xi32, #tpu.memory_space<vmem>>)
      %dma_start3A_233 = arith.constant 0 : i32
      %dma_start3A_234 = arith.constant 0 : i32
      %dma_start3A_235 = tpu.memref_slice %arg2[%dma_start3A_233, %dma_start3A_234] : memref<10000x128xf32, #tpu.memory_space<hbm>> -> memref<10000x128xf32, #tpu.memory_space<hbm>>
      tpu.enqueue_indirect_dma source(%dma_start3A_235 : memref<10000x128xf32, #tpu.memory_space<hbm>>) target(%arg15 : memref<96x128xf32, #tpu.memory_space<vmem>>) offsets(%arg9 : memref<96xi32, #tpu.memory_space<vmem>>) semaphore(%arg26 : memref<!tpu.dma_semaphore, #tpu.memory_space<semaphore_mem>>)
      %dma_wait3A_236 = arith.constant 0 : i32
      %dma_wait3A_237 = arith.constant 0 : i32
      %dma_wait3A_238 = tpu.memref_slice %arg2[%dma_wait3A_236, %dma_wait3A_237] : memref<10000x128xf32, #tpu.memory_space<hbm>> -> memref<10000x128xf32, #tpu.memory_space<hbm>>
      tpu.wait_indirect_dma semaphore(%arg25 : memref<!tpu.dma_semaphore, #tpu.memory_space<semaphore_mem>>) src(%dma_wait3A_238 : memref<10000x128xf32, #tpu.memory_space<hbm>>) dst(%arg14 : memref<96x128xf32, #tpu.memory_space<vmem>>)
      %dma_start3A_239 = arith.constant 0 : i32
      %dma_start3A_240 = arith.constant 0 : i32
      %dma_start3A_241 = tpu.memref_slice %arg20[%dma_start3A_239, %dma_start3A_240] : memref<10000x128xf32, #tpu.memory_space<vmem_shared>> -> memref<10000x128xf32, #tpu.memory_space<vmem_shared>>
      tpu.enqueue_indirect_dma source(%arg14 : memref<96x128xf32, #tpu.memory_space<vmem>>) target(%dma_start3A_241 : memref<10000x128xf32, #tpu.memory_space<vmem_shared>>) offsets(%arg12 : memref<96xi32, #tpu.memory_space<vmem>>) semaphore(%arg27 : memref<!tpu.dma_semaphore, #tpu.memory_space<semaphore_mem>>) {add = true}
      %mul3A_242 = arith.constant 4 : i32
      %mul3A_243 = arith.muli %mul3A_242, %scan3A_103 : i32
      %add3A_244 = arith.constant 3 : i32
      %add3A_245 = arith.addi %mul3A_243, %add3A_244 : i32
      %get3A_246 = arith.constant 0 : index
      %get3A_247 = tpu.vector_load %arg13[%get3A_246] {strides = array<i32>} : memref<96xi32, #tpu.memory_space<vmem>>, vector<16xi32>,
      tpu.vector_store_idx %arg19[%get3A_247], %broadcast_in_dim3A_52 {add = true} : memref<10000xf32, #tpu.memory_space<vmem>>[vector<16xi32>], vector<16xf32>,
      %get3A_248 = arith.constant 16 : index
      %get3A_249 = tpu.vector_load %arg13[%get3A_248] {strides = array<i32>} : memref<96xi32, #tpu.memory_space<vmem>>, vector<16xi32>,
      tpu.vector_store_idx %arg19[%get3A_249], %broadcast_in_dim3A_52 {add = true} : memref<10000xf32, #tpu.memory_space<vmem>>[vector<16xi32>], vector<16xf32>,
      %get3A_250 = arith.constant 32 : index
      %get3A_251 = tpu.vector_load %arg13[%get3A_250] {strides = array<i32>} : memref<96xi32, #tpu.memory_space<vmem>>, vector<16xi32>,
      tpu.vector_store_idx %arg19[%get3A_251], %broadcast_in_dim3A_52 {add = true} : memref<10000xf32, #tpu.memory_space<vmem>>[vector<16xi32>], vector<16xf32>,
      %get3A_252 = arith.constant 48 : index
      %get3A_253 = tpu.vector_load %arg13[%get3A_252] {strides = array<i32>} : memref<96xi32, #tpu.memory_space<vmem>>, vector<16xi32>,
      tpu.vector_store_idx %arg19[%get3A_253], %broadcast_in_dim3A_52 {add = true} : memref<10000xf32, #tpu.memory_space<vmem>>[vector<16xi32>], vector<16xf32>,
      %get3A_254 = arith.constant 64 : index
      %get3A_255 = tpu.vector_load %arg13[%get3A_254] {strides = array<i32>} : memref<96xi32, #tpu.memory_space<vmem>>, vector<16xi32>,
      tpu.vector_store_idx %arg19[%get3A_255], %broadcast_in_dim3A_52 {add = true} : memref<10000xf32, #tpu.memory_space<vmem>>[vector<16xi32>], vector<16xf32>,
      %get3A_256 = arith.constant 80 : index
      %get3A_257 = tpu.vector_load %arg13[%get3A_256] {strides = array<i32>} : memref<96xi32, #tpu.memory_space<vmem>>, vector<16xi32>,
      tpu.vector_store_idx %arg19[%get3A_257], %broadcast_in_dim3A_52 {add = true} : memref<10000xf32, #tpu.memory_space<vmem>>[vector<16xi32>], vector<16xf32>,
      %add3A_258 = arith.constant 2 : i32
      %add3A_259 = arith.addi %add3A_245, %add3A_258 : i32
      %min3A_260 = arith.constant 103 : i32
      %min3A_261 = arith.minsi %add3A_259, %min3A_260 : i32
      %mul3A_262 = arith.constant 96 : i32
      %mul3A_263 = arith.muli %min3A_261, %mul3A_262 : i32
      %add3A_264 = arith.addi %mul3A_2, %mul3A_263 : i32
      %dma_start3A_265 = tpu.memref_slice %arg3[%add3A_264] : memref<640000xi32, #tpu.memory_space<hbm>> -> memref<96xi32, #tpu.memory_space<hbm>>
      %dma_start3A_266 = tpu.memref_slice %arg3[%add3A_264] : memref<640000xi32, #tpu.memory_space<hbm>> -> memref<96xi32, #tpu.memory_space<hbm>>
      tpu.enqueue_dma source(%dma_start3A_266 : memref<96xi32, #tpu.memory_space<hbm>>) target(%arg7 : memref<96xi32, #tpu.memory_space<vmem>>) target_semaphore(%arg22 : memref<!tpu.dma_semaphore, #tpu.memory_space<semaphore_mem>>)
      %mul3A_267 = arith.constant 96 : i32
      %mul3A_268 = arith.muli %min3A_261, %mul3A_267 : i32
      %add3A_269 = arith.addi %add3A_6, %mul3A_268 : i32
      %dma_start3A_270 = tpu.memref_slice %arg3[%add3A_269] : memref<640000xi32, #tpu.memory_space<hbm>> -> memref<96xi32, #tpu.memory_space<hbm>>
      %dma_start3A_271 = tpu.memref_slice %arg3[%add3A_269] : memref<640000xi32, #tpu.memory_space<hbm>> -> memref<96xi32, #tpu.memory_space<hbm>>
      tpu.enqueue_dma source(%dma_start3A_271 : memref<96xi32, #tpu.memory_space<hbm>>) target(%arg11 : memref<96xi32, #tpu.memory_space<vmem>>) target_semaphore(%arg22 : memref<!tpu.dma_semaphore, #tpu.memory_space<semaphore_mem>>)
      %dma_wait3A_272 = arith.constant 0 : i32
      %dma_wait3A_273 = arith.constant 0 : i32
      %dma_wait3A_274 = tpu.memref_slice %arg20[%dma_wait3A_272, %dma_wait3A_273] : memref<10000x128xf32, #tpu.memory_space<vmem_shared>> -> memref<10000x128xf32, #tpu.memory_space<vmem_shared>>
      tpu.wait_indirect_dma semaphore(%arg27 : memref<!tpu.dma_semaphore, #tpu.memory_space<semaphore_mem>>) src(%arg14 : memref<96x128xf32, #tpu.memory_space<vmem>>) dst(%dma_wait3A_274 : memref<10000x128xf32, #tpu.memory_space<vmem_shared>>)
      %dma_wait3A_275 = tpu.memref_slice %arg3[%mul3A_2] : memref<640000xi32, #tpu.memory_space<hbm>> -> memref<96xi32, #tpu.memory_space<hbm>>
      %dma_wait3A_276 = tpu.memref_slice %arg3[%mul3A_2] : memref<640000xi32, #tpu.memory_space<hbm>> -> memref<96xi32, #tpu.memory_space<hbm>>
      tpu.wait_dma2 semaphore(%arg21 : memref<!tpu.dma_semaphore, #tpu.memory_space<semaphore_mem>>) src(%dma_wait3A_276 : memref<96xi32, #tpu.memory_space<hbm>>) dst(%arg6 : memref<96xi32, #tpu.memory_space<vmem>>)
      %dma_wait3A_277 = tpu.memref_slice %arg3[%add3A_6] : memref<640000xi32, #tpu.memory_space<hbm>> -> memref<96xi32, #tpu.memory_space<hbm>>
      %dma_wait3A_278 = tpu.memref_slice %arg3[%add3A_6] : memref<640000xi32, #tpu.memory_space<hbm>> -> memref<96xi32, #tpu.memory_space<hbm>>
      tpu.wait_dma2 semaphore(%arg21 : memref<!tpu.dma_semaphore, #tpu.memory_space<semaphore_mem>>) src(%dma_wait3A_278 : memref<96xi32, #tpu.memory_space<hbm>>) dst(%arg10 : memref<96xi32, #tpu.memory_space<vmem>>)
      %dma_start3A_279 = arith.constant 0 : i32
      %dma_start3A_280 = arith.constant 0 : i32
      %dma_start3A_281 = tpu.memref_slice %arg2[%dma_start3A_279, %dma_start3A_280] : memref<10000x128xf32, #tpu.memory_space<hbm>> -> memref<10000x128xf32, #tpu.memory_space<hbm>>
      tpu.enqueue_indirect_dma source(%dma_start3A_281 : memref<10000x128xf32, #tpu.memory_space<hbm>>) target(%arg14 : memref<96x128xf32, #tpu.memory_space<vmem>>) offsets(%arg6 : memref<96xi32, #tpu.memory_space<vmem>>) semaphore(%arg25 : memref<!tpu.dma_semaphore, #tpu.memory_space<semaphore_mem>>)
      %dma_wait3A_282 = arith.constant 0 : i32
      %dma_wait3A_283 = arith.constant 0 : i32
      %dma_wait3A_284 = tpu.memref_slice %arg2[%dma_wait3A_282, %dma_wait3A_283] : memref<10000x128xf32, #tpu.memory_space<hbm>> -> memref<10000x128xf32, #tpu.memory_space<hbm>>
      tpu.wait_indirect_dma semaphore(%arg26 : memref<!tpu.dma_semaphore, #tpu.memory_space<semaphore_mem>>) src(%dma_wait3A_284 : memref<10000x128xf32, #tpu.memory_space<hbm>>) dst(%arg15 : memref<96x128xf32, #tpu.memory_space<vmem>>)
      %dma_start3A_285 = arith.constant 0 : i32
      %dma_start3A_286 = arith.constant 0 : i32
      %dma_start3A_287 = tpu.memref_slice %arg20[%dma_start3A_285, %dma_start3A_286] : memref<10000x128xf32, #tpu.memory_space<vmem_shared>> -> memref<10000x128xf32, #tpu.memory_space<vmem_shared>>
      tpu.enqueue_indirect_dma source(%arg15 : memref<96x128xf32, #tpu.memory_space<vmem>>) target(%dma_start3A_287 : memref<10000x128xf32, #tpu.memory_space<vmem_shared>>) offsets(%arg13 : memref<96xi32, #tpu.memory_space<vmem>>) semaphore(%arg28 : memref<!tpu.dma_semaphore, #tpu.memory_space<semaphore_mem>>) {add = true}
      %scan3A_288 = arith.constant 0 : i32
      scf.yield %scan3A_288 : i32
    }
    %scan3A_72 = arith.constant 26 : i32
    %dma_wait3A = arith.constant 0 : i32
    %dma_wait3A_73 = arith.constant 0 : i32
    %dma_wait3A_74 = tpu.memref_slice %arg2[%dma_wait3A, %dma_wait3A_73] : memref<10000x128xf32, #tpu.memory_space<hbm>> -> memref<10000x128xf32, #tpu.memory_space<hbm>>
    tpu.wait_indirect_dma semaphore(%arg25 : memref<!tpu.dma_semaphore, #tpu.memory_space<semaphore_mem>>) src(%dma_wait3A_74 : memref<10000x128xf32, #tpu.memory_space<hbm>>) dst(%arg14 : memref<96x128xf32, #tpu.memory_space<vmem>>)
    %dma_wait3A_75 = arith.constant 0 : i32
    %dma_wait3A_76 = arith.constant 0 : i32
    %dma_wait3A_77 = tpu.memref_slice %arg20[%dma_wait3A_75, %dma_wait3A_76] : memref<10000x128xf32, #tpu.memory_space<vmem_shared>> -> memref<10000x128xf32, #tpu.memory_space<vmem_shared>>
    tpu.wait_indirect_dma semaphore(%arg28 : memref<!tpu.dma_semaphore, #tpu.memory_space<semaphore_mem>>) src(%arg15 : memref<96x128xf32, #tpu.memory_space<vmem>>) dst(%dma_wait3A_77 : memref<10000x128xf32, #tpu.memory_space<vmem_shared>>)
    %dma_wait3A_78 = tpu.memref_slice %arg3[%mul3A_2] : memref<640000xi32, #tpu.memory_space<hbm>> -> memref<96xi32, #tpu.memory_space<hbm>>
    %dma_wait3A_79 = tpu.memref_slice %arg3[%mul3A_2] : memref<640000xi32, #tpu.memory_space<hbm>> -> memref<96xi32, #tpu.memory_space<hbm>>
    tpu.wait_dma2 semaphore(%arg22 : memref<!tpu.dma_semaphore, #tpu.memory_space<semaphore_mem>>) src(%dma_wait3A_79 : memref<96xi32, #tpu.memory_space<hbm>>) dst(%arg7 : memref<96xi32, #tpu.memory_space<vmem>>)
    %dma_wait3A_80 = tpu.memref_slice %arg3[%add3A_6] : memref<640000xi32, #tpu.memory_space<hbm>> -> memref<96xi32, #tpu.memory_space<hbm>>
    %dma_wait3A_81 = tpu.memref_slice %arg3[%add3A_6] : memref<640000xi32, #tpu.memory_space<hbm>> -> memref<96xi32, #tpu.memory_space<hbm>>
    tpu.wait_dma2 semaphore(%arg22 : memref<!tpu.dma_semaphore, #tpu.memory_space<semaphore_mem>>) src(%dma_wait3A_81 : memref<96xi32, #tpu.memory_space<hbm>>) dst(%arg11 : memref<96xi32, #tpu.memory_space<vmem>>)
    %add3A_82 = arith.constant 9984 : i32
    %add3A_83 = arith.addi %mul3A_2, %add3A_82 : i32
    "tpu.region"() ({
      %run_scoped3A = tpu.sem_alloc : memref<!tpu.dma_semaphore, #tpu.memory_space<semaphore_mem>>
      %dma_start3A_103 = tpu.memref_slice %arg3[%add3A_83] : memref<640000xi32, #tpu.memory_space<hbm>> -> memref<16xi32, #tpu.memory_space<hbm>>
      %dma_start3A_104 = tpu.memref_slice %arg3[%add3A_83] : memref<640000xi32, #tpu.memory_space<hbm>> -> memref<16xi32, #tpu.memory_space<hbm>>
      tpu.enqueue_dma source(%dma_start3A_104 : memref<16xi32, #tpu.memory_space<hbm>>) target(%arg16 : memref<16xi32, #tpu.memory_space<vmem>>) target_semaphore(%run_scoped3A : memref<!tpu.dma_semaphore, #tpu.memory_space<semaphore_mem>>)
      %dma_wait3A_105 = tpu.memref_slice %arg3[%add3A_83] : memref<640000xi32, #tpu.memory_space<hbm>> -> memref<16xi32, #tpu.memory_space<hbm>>
      %dma_wait3A_106 = tpu.memref_slice %arg3[%add3A_83] : memref<640000xi32, #tpu.memory_space<hbm>> -> memref<16xi32, #tpu.memory_space<hbm>>
      tpu.wait_dma2 semaphore(%run_scoped3A : memref<!tpu.dma_semaphore, #tpu.memory_space<semaphore_mem>>) src(%dma_wait3A_106 : memref<16xi32, #tpu.memory_space<hbm>>) dst(%arg16 : memref<16xi32, #tpu.memory_space<vmem>>)
      tpu.yield
    }) : () -> ()
    %add3A_84 = arith.constant 9984 : i32
    %add3A_85 = arith.addi %add3A_6, %add3A_84 : i32
    "tpu.region"() ({
      %run_scoped3A = tpu.sem_alloc : memref<!tpu.dma_semaphore, #tpu.memory_space<semaphore_mem>>
      %dma_start3A_103 = tpu.memref_slice %arg3[%add3A_85] : memref<640000xi32, #tpu.memory_space<hbm>> -> memref<16xi32, #tpu.memory_space<hbm>>
      %dma_start3A_104 = tpu.memref_slice %arg3[%add3A_85] : memref<640000xi32, #tpu.memory_space<hbm>> -> memref<16xi32, #tpu.memory_space<hbm>>
      tpu.enqueue_dma source(%dma_start3A_104 : memref<16xi32, #tpu.memory_space<hbm>>) target(%arg17 : memref<16xi32, #tpu.memory_space<vmem>>) target_semaphore(%run_scoped3A : memref<!tpu.dma_semaphore, #tpu.memory_space<semaphore_mem>>)
      %dma_wait3A_105 = tpu.memref_slice %arg3[%add3A_85] : memref<640000xi32, #tpu.memory_space<hbm>> -> memref<16xi32, #tpu.memory_space<hbm>>
      %dma_wait3A_106 = tpu.memref_slice %arg3[%add3A_85] : memref<640000xi32, #tpu.memory_space<hbm>> -> memref<16xi32, #tpu.memory_space<hbm>>
      tpu.wait_dma2 semaphore(%run_scoped3A : memref<!tpu.dma_semaphore, #tpu.memory_space<semaphore_mem>>) src(%dma_wait3A_106 : memref<16xi32, #tpu.memory_space<hbm>>) dst(%arg17 : memref<16xi32, #tpu.memory_space<vmem>>)
      tpu.yield
    }) : () -> ()
    %dma_start3A_86 = arith.constant 0 : i32
    %dma_start3A_87 = arith.constant 0 : i32
    %dma_start3A_88 = tpu.memref_slice %arg2[%dma_start3A_86, %dma_start3A_87] : memref<10000x128xf32, #tpu.memory_space<hbm>> -> memref<10000x128xf32, #tpu.memory_space<hbm>>
    tpu.enqueue_indirect_dma source(%dma_start3A_88 : memref<10000x128xf32, #tpu.memory_space<hbm>>) target(%arg18 : memref<16x128xf32, #tpu.memory_space<vmem>>) offsets(%arg16 : memref<16xi32, #tpu.memory_space<vmem>>) semaphore(%arg25 : memref<!tpu.dma_semaphore, #tpu.memory_space<semaphore_mem>>)
    %dma_wait3A_89 = arith.constant 0 : i32
    %dma_wait3A_90 = arith.constant 0 : i32
    %dma_wait3A_91 = tpu.memref_slice %arg2[%dma_wait3A_89, %dma_wait3A_90] : memref<10000x128xf32, #tpu.memory_space<hbm>> -> memref<10000x128xf32, #tpu.memory_space<hbm>>
    tpu.wait_indirect_dma semaphore(%arg25 : memref<!tpu.dma_semaphore, #tpu.memory_space<semaphore_mem>>) src(%dma_wait3A_91 : memref<10000x128xf32, #tpu.memory_space<hbm>>) dst(%arg18 : memref<16x128xf32, #tpu.memory_space<vmem>>)
    %get3A = arith.constant 0 : index
    %get3A_92 = tpu.vector_load %arg17[%get3A] {strides = array<i32>} : memref<16xi32, #tpu.memory_space<vmem>>, vector<16xi32>,
    tpu.vector_store_idx %arg19[%get3A_92], %broadcast_in_dim3A_52 {add = true} : memref<10000xf32, #tpu.memory_space<vmem>>[vector<16xi32>], vector<16xf32>,
    "tpu.region"() ({
      %run_scoped3A = tpu.sem_alloc : memref<!tpu.dma_semaphore, #tpu.memory_space<semaphore_mem>>
      %dma_start3A_103 = arith.constant 0 : i32
      %dma_start3A_104 = arith.constant 0 : i32
      %dma_start3A_105 = tpu.memref_slice %arg20[%dma_start3A_103, %dma_start3A_104] : memref<10000x128xf32, #tpu.memory_space<vmem_shared>> -> memref<10000x128xf32, #tpu.memory_space<vmem_shared>>
      tpu.enqueue_indirect_dma source(%arg18 : memref<16x128xf32, #tpu.memory_space<vmem>>) target(%dma_start3A_105 : memref<10000x128xf32, #tpu.memory_space<vmem_shared>>) offsets(%arg17 : memref<16xi32, #tpu.memory_space<vmem>>) semaphore(%run_scoped3A : memref<!tpu.dma_semaphore, #tpu.memory_space<semaphore_mem>>) {add = true}
      %dma_wait3A_106 = arith.constant 0 : i32
      %dma_wait3A_107 = arith.constant 0 : i32
      %dma_wait3A_108 = tpu.memref_slice %arg20[%dma_wait3A_106, %dma_wait3A_107] : memref<10000x128xf32, #tpu.memory_space<vmem_shared>> -> memref<10000x128xf32, #tpu.memory_space<vmem_shared>>
      tpu.wait_indirect_dma semaphore(%run_scoped3A : memref<!tpu.dma_semaphore, #tpu.memory_space<semaphore_mem>>) src(%arg18 : memref<16x128xf32, #tpu.memory_space<vmem>>) dst(%dma_wait3A_108 : memref<10000x128xf32, #tpu.memory_space<vmem_shared>>)
      tpu.yield
    }) : () -> ()
    %barrier3A_93 = arith.constant 0 : index
    tpu.barrier barrier_id(%barrier3A_93)
    %mul3A_94 = arith.constant 624 : i32
    %mul3A_95 = arith.muli %arg1, %mul3A_94 : i32
    %mul3A_96 = arith.constant 624 : i32
    %mul3A_97 = arith.muli %arg1, %mul3A_96 : i32
    "tpu.region"() ({
      %run_scoped3A = tpu.sem_alloc : memref<!tpu.dma_semaphore, #tpu.memory_space<semaphore_mem>>
      %dma_start3A_103 = arith.constant 0 : i32
      %dma_start3A_104 = tpu.memref_slice %arg4[%arg0, %mul3A_97, %dma_start3A_103] : memref<2x10000x128xf32, #tpu.memory_space<hbm>> -> memref<1x624x128xf32, #tpu.memory_space<hbm>>
      %dma_start3A_105 = tpu.memref_squeeze %dma_start3A_104 : memref<1x624x128xf32, #tpu.memory_space<hbm>> -> memref<624x128xf32, #tpu.memory_space<hbm>>
      %dma_start3A_106 = arith.constant 0 : i32
      %dma_start3A_107 = tpu.memref_slice %arg20[%mul3A_95, %dma_start3A_106] : memref<10000x128xf32, #tpu.memory_space<vmem_shared>> -> memref<624x128xf32, #tpu.memory_space<vmem_shared>>
      tpu.enqueue_dma source(%dma_start3A_107 : memref<624x128xf32, #tpu.memory_space<vmem_shared>>) target(%dma_start3A_105 : memref<624x128xf32, #tpu.memory_space<hbm>>) target_semaphore(%run_scoped3A : memref<!tpu.dma_semaphore, #tpu.memory_space<semaphore_mem>>)
      %dma_wait3A_108 = arith.constant 0 : i32
      %dma_wait3A_109 = tpu.memref_slice %arg4[%arg0, %mul3A_97, %dma_wait3A_108] : memref<2x10000x128xf32, #tpu.memory_space<hbm>> -> memref<1x624x128xf32, #tpu.memory_space<hbm>>
      %dma_wait3A_110 = tpu.memref_squeeze %dma_wait3A_109 : memref<1x624x128xf32, #tpu.memory_space<hbm>> -> memref<624x128xf32, #tpu.memory_space<hbm>>
      %dma_wait3A_111 = arith.constant 0 : i32
      %dma_wait3A_112 = tpu.memref_slice %arg20[%mul3A_95, %dma_wait3A_111] : memref<10000x128xf32, #tpu.memory_space<vmem_shared>> -> memref<624x128xf32, #tpu.memory_space<vmem_shared>>
      tpu.wait_dma2 semaphore(%run_scoped3A : memref<!tpu.dma_semaphore, #tpu.memory_space<semaphore_mem>>) src(%dma_wait3A_112 : memref<624x128xf32, #tpu.memory_space<vmem_shared>>) dst(%dma_wait3A_110 : memref<624x128xf32, #tpu.memory_space<hbm>>)
      tpu.yield
    }) : () -> ()
    %eq3A_98 = arith.constant 15 : i32
    %eq3A_99 = arith.cmpi eq, %arg1, %eq3A_98 : i32
    %convert_element_type3A_100 = arith.extui %eq3A_99 : i1 to i32
    %cond3A_101 = arith.constant 0 : i32
    %cond3A_102 = arith.cmpi ne, %convert_element_type3A_100, %cond3A_101 : i32
    scf.if %cond3A_102 {
      "tpu.region"() ({
        %run_scoped3A = tpu.sem_alloc : memref<!tpu.dma_semaphore, #tpu.memory_space<semaphore_mem>>
        %dma_start3A_103 = arith.constant 9984 : i32
        %dma_start3A_104 = arith.constant 0 : i32
        %dma_start3A_105 = tpu.memref_slice %arg4[%arg0, %dma_start3A_103, %dma_start3A_104] : memref<2x10000x128xf32, #tpu.memory_space<hbm>> -> memref<1x16x128xf32, #tpu.memory_space<hbm>>
        %dma_start3A_106 = tpu.memref_squeeze %dma_start3A_105 : memref<1x16x128xf32, #tpu.memory_space<hbm>> -> memref<16x128xf32, #tpu.memory_space<hbm>>
        %dma_start3A_107 = arith.constant 9984 : i32
        %dma_start3A_108 = arith.constant 0 : i32
        %dma_start3A_109 = tpu.memref_slice %arg20[%dma_start3A_107, %dma_start3A_108] : memref<10000x128xf32, #tpu.memory_space<vmem_shared>> -> memref<16x128xf32, #tpu.memory_space<vmem_shared>>
        tpu.enqueue_dma source(%dma_start3A_109 : memref<16x128xf32, #tpu.memory_space<vmem_shared>>) target(%dma_start3A_106 : memref<16x128xf32, #tpu.memory_space<hbm>>) target_semaphore(%run_scoped3A : memref<!tpu.dma_semaphore, #tpu.memory_space<semaphore_mem>>)
        %dma_wait3A_110 = arith.constant 9984 : i32
        %dma_wait3A_111 = arith.constant 0 : i32
        %dma_wait3A_112 = tpu.memref_slice %arg4[%arg0, %dma_wait3A_110, %dma_wait3A_111] : memref<2x10000x128xf32, #tpu.memory_space<hbm>> -> memref<1x16x128xf32, #tpu.memory_space<hbm>>
        %dma_wait3A_113 = tpu.memref_squeeze %dma_wait3A_112 : memref<1x16x128xf32, #tpu.memory_space<hbm>> -> memref<16x128xf32, #tpu.memory_space<hbm>>
        %dma_wait3A_114 = arith.constant 9984 : i32
        %dma_wait3A_115 = arith.constant 0 : i32
        %dma_wait3A_116 = tpu.memref_slice %arg20[%dma_wait3A_114, %dma_wait3A_115] : memref<10000x128xf32, #tpu.memory_space<vmem_shared>> -> memref<16x128xf32, #tpu.memory_space<vmem_shared>>
        tpu.wait_dma2 semaphore(%run_scoped3A : memref<!tpu.dma_semaphore, #tpu.memory_space<semaphore_mem>>) src(%dma_wait3A_116 : memref<16x128xf32, #tpu.memory_space<vmem_shared>>) dst(%dma_wait3A_113 : memref<16x128xf32, #tpu.memory_space<hbm>>)
        tpu.yield
      }) : () -> ()
    } else {
    }
    "tpu.region"() ({
      %run_scoped3A = tpu.sem_alloc : memref<!tpu.dma_semaphore, #tpu.memory_space<semaphore_mem>>
      %dma_start3A_103 = arith.constant 0 : i32
      %dma_start3A_104 = tpu.memref_slice %arg5[%add3A, %dma_start3A_103] : memref<32x10000xf32, #tpu.memory_space<hbm>> -> memref<1x10000xf32, #tpu.memory_space<hbm>>
      %dma_start3A_105 = tpu.memref_squeeze %dma_start3A_104 : memref<1x10000xf32, #tpu.memory_space<hbm>> -> memref<10000xf32, #tpu.memory_space<hbm>>
      %dma_start3A_106 = arith.constant 0 : i32
      %dma_start3A_107 = tpu.memref_slice %arg5[%add3A, %dma_start3A_106] : memref<32x10000xf32, #tpu.memory_space<hbm>> -> memref<1x10000xf32, #tpu.memory_space<hbm>>
      %dma_start3A_108 = tpu.memref_squeeze %dma_start3A_107 : memref<1x10000xf32, #tpu.memory_space<hbm>> -> memref<10000xf32, #tpu.memory_space<hbm>>
      tpu.enqueue_dma source(%arg19 : memref<10000xf32, #tpu.memory_space<vmem>>) target(%dma_start3A_108 : memref<10000xf32, #tpu.memory_space<hbm>>) target_semaphore(%run_scoped3A : memref<!tpu.dma_semaphore, #tpu.memory_space<semaphore_mem>>)
      %dma_wait3A_109 = arith.constant 0 : i32
      %dma_wait3A_110 = tpu.memref_slice %arg5[%add3A, %dma_wait3A_109] : memref<32x10000xf32, #tpu.memory_space<hbm>> -> memref<1x10000xf32, #tpu.memory_space<hbm>>
      %dma_wait3A_111 = tpu.memref_squeeze %dma_wait3A_110 : memref<1x10000xf32, #tpu.memory_space<hbm>> -> memref<10000xf32, #tpu.memory_space<hbm>>
      %dma_wait3A_112 = arith.constant 0 : i32
      %dma_wait3A_113 = tpu.memref_slice %arg5[%add3A, %dma_wait3A_112] : memref<32x10000xf32, #tpu.memory_space<hbm>> -> memref<1x10000xf32, #tpu.memory_space<hbm>>
      %dma_wait3A_114 = tpu.memref_squeeze %dma_wait3A_113 : memref<1x10000xf32, #tpu.memory_space<hbm>> -> memref<10000xf32, #tpu.memory_space<hbm>>
      tpu.wait_dma2 semaphore(%run_scoped3A : memref<!tpu.dma_semaphore, #tpu.memory_space<semaphore_mem>>) src(%arg19 : memref<10000xf32, #tpu.memory_space<vmem>>) dst(%dma_wait3A_114 : memref<10000xf32, #tpu.memory_space<hbm>>)
      tpu.yield
    }) : () -> ()
    return
  }
}

module attributes {stable_mosaic.version = 14 : i64} {
  func.func @_tc_epilogue_body(%arg0: i32, %arg1: memref<1000x128xf32, #tpu.memory_space<vmem>>, %arg2: memref<2x1000x128xf32, #tpu.memory_space<vmem>>, %arg3: memref<1000x32xf32, #tpu.memory_space<vmem>>, %arg4: memref<128x128xf32, #tpu.memory_space<vmem>>, %arg5: memref<128x128xf32, #tpu.memory_space<vmem>>, %arg6: memref<1x128xf32, #tpu.memory_space<vmem>>, %arg7: memref<1000x128xf32, #tpu.memory_space<vmem>>) attributes {dimension_semantics = [#tpu.dimension_semantics<arbitrary>], iteration_bounds = array<i64: 10>, scalar_prefetch = 0 : i64, scratch_operands = 0 : i64, tpu.core_type = #tpu.core_type<tc>, window_params = [{transform_indices = @transform_0, window_bounds = array<i64: 1000, 128>}, {transform_indices = @transform_1, window_bounds = array<i64: 2, 1000, 128>}, {transform_indices = @transform_2, window_bounds = array<i64: 1000, 32>}, {pipeline_mode = #tpu.pipeline_mode<synchronous>, transform_indices = @transform_3, window_bounds = array<i64: 128, 128>}, {pipeline_mode = #tpu.pipeline_mode<synchronous>, transform_indices = @transform_4, window_bounds = array<i64: 128, 128>}, {pipeline_mode = #tpu.pipeline_mode<synchronous>, transform_indices = @transform_5, window_bounds = array<i64: 1, 128>}, {transform_indices = @transform_6, window_bounds = array<i64: 1000, 128>}]} {
    %get3A = arith.constant 0 : index
    %get3A_0 = arith.constant 0 : index
    %get3A_1 = arith.constant 0 : index
    %get3A_2 = vector.load %arg2[%get3A, %get3A_0, %get3A_1] : memref<2x1000x128xf32, #tpu.memory_space<vmem>>, vector<1x1000x128xf32>
    %get3A_3 = vector.shape_cast %get3A_2 : vector<1x1000x128xf32> to vector<1000x128xf32>
    %get3A_4 = arith.constant 1 : index
    %get3A_5 = arith.constant 0 : index
    %get3A_6 = arith.constant 0 : index
    %get3A_7 = vector.load %arg2[%get3A_4, %get3A_5, %get3A_6] : memref<2x1000x128xf32, #tpu.memory_space<vmem>>, vector<1x1000x128xf32>
    %get3A_8 = vector.shape_cast %get3A_7 : vector<1x1000x128xf32> to vector<1000x128xf32>
    %add3A = arith.addf %get3A_3, %get3A_8 : vector<1000x128xf32>
    %get3A_9 = arith.constant 0 : index
    %get3A_10 = arith.constant 0 : index
    %get3A_11 = vector.load %arg3[%get3A_9, %get3A_10] : memref<1000x32xf32, #tpu.memory_space<vmem>>, vector<1000x32xf32>
    %reduce_sum3A = arith.constant dense<0.000000e+00> : vector<1000xf32>
    %reduce_sum3A_12 = vector.multi_reduction <add>, %get3A_11, %reduce_sum3A [1] : vector<1000x32xf32> to vector<1000xf32>
    %broadcast_in_dim3A = vector.shape_cast %reduce_sum3A_12 : vector<1000xf32> to vector<1000x1xf32>
    %max3A = arith.constant 1.000000e+00 : f32
    %max3A_13 = vector.broadcast %max3A : f32 to vector<1000x1xf32>
    %max3A_14 = arith.maximumf %broadcast_in_dim3A, %max3A_13 : vector<1000x1xf32>
    %div3A = vector.broadcast %max3A_14 : vector<1000x1xf32> to vector<1000x128xf32>
    %div3A_15 = arith.divf %add3A, %div3A : vector<1000x128xf32>
    %get3A_16 = arith.constant 0 : index
    %get3A_17 = arith.constant 0 : index
    %get3A_18 = vector.load %arg1[%get3A_16, %get3A_17] : memref<1000x128xf32, #tpu.memory_space<vmem>>, vector<1000x128xf32>
    %get3A_19 = arith.constant 0 : index
    %get3A_20 = arith.constant 0 : index
    %get3A_21 = vector.load %arg4[%get3A_19, %get3A_20] : memref<128x128xf32, #tpu.memory_space<vmem>>, vector<128x128xf32>
    %dot_general3A = arith.constant dense<0.000000e+00> : vector<1000x128xf32>
    %dot_general3A_22 = tpu.matmul %get3A_18, %get3A_21, %dot_general3A {dimension_numbers = #tpu.dot_dimension_numbers<[1], [0], [0], [1], [0, 0, 1, 1], [], []>, transpose_lhs_hint = false} : vector<1000x128xf32>, vector<128x128xf32>, vector<1000x128xf32> -> vector<1000x128xf32>
    %get3A_23 = arith.constant 0 : index
    %get3A_24 = arith.constant 0 : index
    %get3A_25 = vector.load %arg5[%get3A_23, %get3A_24] : memref<128x128xf32, #tpu.memory_space<vmem>>, vector<128x128xf32>
    %dot_general3A_26 = arith.constant dense<0.000000e+00> : vector<1000x128xf32>
    %dot_general3A_27 = tpu.matmul %div3A_15, %get3A_25, %dot_general3A_26 {dimension_numbers = #tpu.dot_dimension_numbers<[1], [0], [0], [1], [0, 0, 1, 1], [], []>, transpose_lhs_hint = false} : vector<1000x128xf32>, vector<128x128xf32>, vector<1000x128xf32> -> vector<1000x128xf32>
    %add3A_28 = arith.addf %dot_general3A_22, %dot_general3A_27 : vector<1000x128xf32>
    %get3A_29 = arith.constant 0 : index
    %get3A_30 = arith.constant 0 : index
    %get3A_31 = vector.load %arg6[%get3A_29, %get3A_30] : memref<1x128xf32, #tpu.memory_space<vmem>>, vector<1x128xf32>
    %add3A_32 = vector.broadcast %get3A_31 : vector<1x128xf32> to vector<1000x128xf32>
    %add3A_33 = arith.addf %add3A_28, %add3A_32 : vector<1000x128xf32>
    %max3A_34 = arith.constant 0.000000e+00 : f32
    %max3A_35 = vector.broadcast %max3A_34 : f32 to vector<1000x128xf32>
    %max3A_36 = arith.maximumf %add3A_33, %max3A_35 : vector<1000x128xf32>
    %swap3A = arith.constant 0 : index
    %swap3A_37 = arith.constant 0 : index
    %swap3A_38 = vector.load %arg7[%swap3A, %swap3A_37] : memref<1000x128xf32, #tpu.memory_space<vmem>>, vector<1000x128xf32>
    tpu.vector_store %arg7[%swap3A, %swap3A_37], %max3A_36 {strides = array<i32>} : memref<1000x128xf32, #tpu.memory_space<vmem>>, vector<1000x128xf32>,
    return
  }
  func.func @transform_0(%arg0: i32) -> (i32, i32) {
    %c0_i32 = arith.constant 0 : i32
    %c0_i32_0 = arith.constant 0 : i32
    return %arg0, %c0_i32 : i32, i32
  }
  func.func @transform_1(%arg0: i32) -> (i32, i32, i32) {
    %c0_i32 = arith.constant 0 : i32
    %c0_i32_0 = arith.constant 0 : i32
    %c0_i32_1 = arith.constant 0 : i32
    return %c0_i32, %arg0, %c0_i32_0 : i32, i32, i32
  }
  func.func @transform_2(%arg0: i32) -> (i32, i32) {
    %c0_i32 = arith.constant 0 : i32
    %c0_i32_0 = arith.constant 0 : i32
    return %arg0, %c0_i32 : i32, i32
  }
  func.func @transform_3(%arg0: i32) -> (i32, i32) {
    %c0_i32 = arith.constant 0 : i32
    %c0_i32_0 = arith.constant 0 : i32
    %c0_i32_1 = arith.constant 0 : i32
    return %c0_i32, %c0_i32_0 : i32, i32
  }
  func.func @transform_4(%arg0: i32) -> (i32, i32) {
    %c0_i32 = arith.constant 0 : i32
    %c0_i32_0 = arith.constant 0 : i32
    %c0_i32_1 = arith.constant 0 : i32
    return %c0_i32, %c0_i32_0 : i32, i32
  }
  func.func @transform_5(%arg0: i32) -> (i32, i32) {
    %c0_i32 = arith.constant 0 : i32
    %c0_i32_0 = arith.constant 0 : i32
    %c0_i32_1 = arith.constant 0 : i32
    return %c0_i32, %c0_i32_0 : i32, i32
  }
  func.func @transform_6(%arg0: i32) -> (i32, i32) {
    %c0_i32 = arith.constant 0 : i32
    %c0_i32_0 = arith.constant 0 : i32
    return %arg0, %c0_i32 : i32, i32
  }
}

</mosaic_0001>

<sc_bundles>
// kernel: kernel.4.cloned.1.call-start
scs
__scs_entry_jumppad:
0x0: {  	(pc) =	sbr.rel $0x88, $3  }
0x1: {  	(tag) =	ssettag $0x0;
	lr =	simm.s32 $0x1  }
0x2: {  	[smem:$0x3F9C] =	sst lr;
	_ =	strace $0xD0000000  }
0x3: {  	_ = 	snop  }
0x4: {  	_ = 	snop  }
0x5: {  	_ = 	snop  }
0x6: {  	_ = 	snop  }
0x7: {  	_ = 	snop  }
__scs_overlays_trampoline_lowered:
0x8: {  	[smem:$0x3FAB] =	sst s0  }
0x9: {  	[smem:$0x3FAC] =	sst s1  }
0xa: {  	[smem:$0x3FAD] =	sst s2  }
0xb: {  	[smem:$0x3FAE] =	sst s3  }
0xc: {  	[smem:$0x3FAF] =	sst s4  }
0xd: {  	[smem:$0x3FB0] =	sst s5  }
0xe: {  	[smem:$0x3FB1] =	sst s6  }
0xf: {  	[smem:$0x3FB2] =	sst s7  }
0x10: {  	[smem:$0x3FB3] =	sst s8  }
0x11: {  	[smem:$0x3FB4] =	sst s9;
	s0 =	simm.s32 @!p0 $0x0  }
0x12: {  	s1 =	sld [smem:$0x3F9A];
	s0 =	simm.s32 @p0 $0x1  }
0x13: {  	[smem:$0x3FB5] =	sst s0;
	s0 =	simm.s32 @!p1 $0x0  }
0x14: {  	s2 =	sld [smem:$0x3F99];
	s0 =	simm.s32 @p1 $0x1  }
0x15: {  	[smem:$0x3FB6] =	sst s0;
	s0 =	simm.s32 @!p2 $0x0  }
0x16: {  	s3 =	sld [smem:$0x3FDB];
	s0 =	simm.s32 @p2 $0x1  }
0x17: {  	s4 =	simm.s32 $0x1BF5;
	[smem:$0x3FB8] =	sst s0  }
0x18: {  	s0 =	sld [smem:$0x3F9B];
	_ =	swait.ge [sflag:s4], $0x0  }
0x19: {  	s7 =	sld [smem:$0x3F9C]  }
0x1a: {  	s8 =	sadd.s32 $0xFFFFE003, lr  }
0x1b: {  	s9 =	sadd.s32 $0xFFFFFEF7, lr;
	s5 =	simm.s32 $0xFFFFFFFF;
	p2 =	slt.u32 s8, $0xFFFFF086  }
0x1c: {  	p1 =	slt.u32 s9, $0xF7A;
	s5 =	simm.s32 @!p2 $0x0  }
0x1d: {  	s5 =	simm.s32 @p1 $0x1;
	p0 =	seq.s32 s7, s2  }
0x1e: {  	s7 =	smul.u32 @!p0 $0xF7A, s2;
	p2 =	seq.s32 @!p0 s5, $0x0  }
0x1f: {  	s9 =	smul.u32 $0xF7A, s1;
	s8 =	simm.s32 @!p0 $0x1BF5;
	p2 =	por !p2, p0  }
0x20: {  	[sflag:s8] =	ssyncset.s32 @!p0 $0xFFFFF086;
	s6 =	sadd.s32 @!p0 s3, s7;
	s7 =	simm.s32 @!p0 $0x108  }
0x21: {  	s3 =	sadd.s32 s3, s9;
	s6 =	sadd.s32 @!p0 $0x88, s6;
	s7 =	simm.s32 @p2 $0x1082  }
0x22: {  	[simem:s7], [sflag:s8] =	dma.local @!p0 [hbm:s6], $0xF7A  }
0x23: {  	s9 =	sor.u32 $0xD0000000, s2;
	s6 =	simm.s32 $0x108;
	_ =	swait.ge @!p0 [sflag:s8], $0x0  }
0x24: {  	s3 =	sadd.s32 $0x88, s3;
	s6 =	simm.s32 @!p1 $0x1082;
	[sflag:s4] =	ssyncset.s32 $0xFFFFF086  }
0x25: {  	[simem:s6], [sflag:s4] =	dma.local [hbm:s3], $0xF7A  }
0x26: {  	[smem:$0x3F9C] =	sst s1;
	(tag) =	ssettag s2;
	_ =	strace s9  }
0x27: {  	s1 =	sld [smem:$0x3FAC]  }
0x28: {  	s2 =	sld [smem:$0x3FAD]  }
0x29: {  	s4 =	sld [smem:$0x3FAF]  }
0x2a: {  	p0 =	seq.s32 s5, $0x0;
	s5 =	sld [smem:$0x3FB0]  }
0x2b: {  	s6 =	sld [smem:$0x3FB1]  }
0x2c: {  	s7 =	sld [smem:$0x3FB2]  }
0x2d: {  	s3 =	simm.s32 $0x108;
	s8 =	sld [smem:$0x3FB3]  }
0x2e: {  	s3 =	simm.s32 @!p0 $0x1082;
	s9 =	sld [smem:$0x3FB4]  }
0x2f: {  	lr =	sadd.s32 s0, s3;
	s0 =	sld [smem:$0x3FAB]  }
0x30: {  	s3 =	sld [smem:$0x3FAE]  }
0x31: {  	[smem:$0x3FB7] =	sst s10  }
0x32: {  	s10 =	sld [smem:$0x3FB5];
	_ =	sdelay $0x3  }
0x33: {  	p0 =	seq.s32 s10, $0x1;
	s10 =	sld [smem:$0x3FB7];
	_ =	sdelay $0x3  }
0x34: {  	[smem:$0x3FB7] =	sst s10  }
0x35: {  	s10 =	sld [smem:$0x3FB6];
	_ =	sdelay $0x3  }
0x36: {  	p1 =	seq.s32 s10, $0x1;
	s10 =	sld [smem:$0x3FB7];
	_ =	sdelay $0x3  }
0x37: {  	[smem:$0x3FB7] =	sst s10  }
0x38: {  	s10 =	sld [smem:$0x3FB8]  }
0x39: {  	_ = 	snop;
	(pc) =	sbr.ind lr, $3  }
0x3a: {  	_ = 	snop  }
0x3b: {  	_ = 	snop  }
0x3c: {  	p2 =	seq.s32 s10, $0x1;
	s10 =	sld [smem:$0x3FB7]  }
0x3d: {  	_ =	shalt  }
0x3e: {  	_ =	shalt  }
0x3f: {  	_ =	shalt  }
0x40: {  	_ =	shalt  }
0x41: {  	_ =	shalt  }
0x42: {  	_ =	shalt  }
0x43: {  	_ =	shalt  }
0x44: {  	_ =	shalt  }
0x45: {  	_ =	shalt  }
0x46: {  	_ =	shalt  }
0x47: {  	_ =	shalt  }
0x48: {  	_ =	shalt  }
0x49: {  	_ =	shalt  }
0x4a: {  	_ =	shalt  }
0x4b: {  	_ =	shalt  }
0x4c: {  	_ =	shalt  }
0x4d: {  	_ =	shalt  }
0x4e: {  	_ =	shalt  }
0x4f: {  	_ =	shalt  }
0x50: {  	_ =	shalt  }
0x51: {  	_ =	shalt  }
0x52: {  	_ =	shalt  }
0x53: {  	_ =	shalt  }
0x54: {  	_ =	shalt  }
0x55: {  	_ =	shalt  }
0x56: {  	_ =	shalt  }
0x57: {  	_ =	shalt  }
0x58: {  	_ =	shalt  }
0x59: {  	_ =	shalt  }
0x5a: {  	_ =	shalt  }
0x5b: {  	_ =	shalt  }
0x5c: {  	_ =	shalt  }
0x5d: {  	_ =	shalt  }
0x5e: {  	_ =	shalt  }
0x5f: {  	_ =	shalt  }
0x60: {  	_ =	shalt  }
0x61: {  	_ =	shalt  }
0x62: {  	_ =	shalt  }
0x63: {  	_ =	shalt  }
0x64: {  	_ =	shalt  }
0x65: {  	_ =	shalt  }
0x66: {  	_ =	shalt  }
0x67: {  	_ =	shalt  }
0x68: {  	_ =	shalt  }
0x69: {  	_ =	shalt  }
0x6a: {  	_ =	shalt  }
0x6b: {  	_ =	shalt  }
0x6c: {  	_ =	shalt  }
0x6d: {  	_ =	shalt  }
0x6e: {  	_ =	shalt  }
0x6f: {  	_ =	shalt  }
0x70: {  	_ =	shalt  }
0x71: {  	_ =	shalt  }
0x72: {  	_ =	shalt  }
0x73: {  	_ =	shalt  }
0x74: {  	_ =	shalt  }
0x75: {  	_ =	shalt  }
0x76: {  	_ =	shalt  }
0x77: {  	_ =	shalt  }
0x78: {  	_ =	shalt  }
0x79: {  	_ =	shalt  }
0x7a: {  	_ =	shalt  }
0x7b: {  	_ =	shalt  }
0x7c: {  	_ =	shalt  }
0x7d: {  	_ =	shalt  }
0x7e: {  	_ =	shalt  }
0x7f: {  	_ =	shalt  }
0x80: {  	_ =	shalt  }
0x81: {  	_ =	shalt  }
0x82: {  	_ =	shalt  }
0x83: {  	_ =	shalt  }
0x84: {  	_ =	shalt  }
0x85: {  	_ =	shalt  }
0x86: {  	_ =	shalt  }
0x87: {  	_ =	shalt  }
.Lfunc_end0:
.L_simem_size_0:
called_computation_lowered:
.L_overlay_start_0:
0x88: {  	s2 =	sld [smem:$0x3FD9]  }
0x89: {  	s3 =	sld [smem:$0x3FFE];
	_ =	sdelay $0x1  }
0x8a: {  	s1 =	srdreg.scid  }
0x8b: {  	s0 =	sand.u32 $0x1, s1  }
0x8c: {  	s17 =	sshll.u32 s0, $0xA;
	s2 =	sadd.s32 s3, s2  }
0x8d: {  	s2 =	sadd.s32 s2, s17  }
0x8e: {  	[smem:$0x3FC3] =	sst s2  }
0x8f: {  	_ = 	snop  }
0x90: {  	s2 =	sld [smem:$0x3FC9]  }
0x91: {  	s18 =	sld [smem:$0x3FD0];
	(tm) =	ssettm $0x1  }
0x92: {  	s4 =	sld [smem:$0x3FFB];
	_ =	sdelay $0x3  }
0x93: {  	_ =	strace s4  }
0x94: {  	s4 =	sld [smem:$0x3FFC];
	_ =	sdelay $0x3  }
0x95: {  	_ =	strace s4  }
0x96: {  	s4 =	sld [smem:$0x3FFD];
	_ =	sdelay $0x3  }
0x97: {  	_ =	strace s4  }
0x98: {  	_ =	strace $0x8FFFFFFF  }
0x99: {  	s19 =	sld [smem:$0x3FDB];
	_ =	sdelay $0x1  }
0x9a: {  	s5 =	simm.s32 $_scs_section_size  }
0x9b: {  	s6 =	simm.s32 $_size__tile_overlayer_lowered;
	s7 =	simm.s32 $_tile_overlayer_lowered  }
0x9c: {  	s22 =	simm.s32 $0x1BFF;
	s21 =	sshll.u32 s7, $0x1;
	s4 =	sadd.s32 s5, s19  }
0x9d: {  	s8 =	simm.s32 $0x0;
	s20 =	sshll.u32 s6, $0x1;
	s6 =	sadd.s32 s21, s4  }
0x9e: {  	[timem:s8], [sflag:s22] =	dma.local [hbm:s6], s20  }
0x9f: {  	_ =	swait.ge [sflag:s22], s20  }
0xa0: {  	s5 =	ssub.s32 $0x0, s20;
	[sflag:s22] =	ssyncset.done $0x0  }
0xa1: {  	[sflag:s22] =	ssyncadd.s32 s5;
	_ =	sdelay $0x1  }
0xa2: {  	s23 =	simm.s32 $0x1B8B  }
0xa3: {  	_ =	swait.ge [sflag:s23], $0x1  }
0xa4: {  	[sflag:s23] =	ssyncset.done $0x0  }
0xa5: {  	s25 =	simm.s32 $0x1B8E;
	s24 =	sld [smem:$0x3FFE];
	[sflag:s23] =	ssyncadd.s32 $0xFFFFFFFF  }
0xa6: {  	s26 =	simm.s32 $execute0_lowered;
	[smem:$0x3FD2] =	sst s25  }
0xa7: {  	s6 =	sshll.u32 s26, $0x1;
	_ =	strace $0x80000046;
	[dreg:$0x1] =	wrdreg $0xFFFFFFFF  }
0xa8: {  	s28 =	simm.s32 $_size_execute0_lowered;
	s4 =	sadd.s32 s4, s6;
	[dreg:$0x0] =	wrdreg $0x0  }
0xa9: {  	s6 =	sshll.u32 s28, $0x1;
	[dreg:$0x2] =	wrdreg s4  }
0xaa: {  	[dreg:$0x3] =	wrdreg s6  }
0xab: {  	[dreg:$0x4] =	wrdreg $0xC0  }
0xac: {  	_ =	task [dreg:s8], $0x5FFFF  }
0xad: {  	[dreg:$0x1] =	wrdreg $0xFFFFFFFF  }
0xae: {  	[dreg:$0x0] =	wrdreg $0x60  }
0xaf: {  	[dreg:$0x2] =	wrdreg s2  }
0xb0: {  	[dreg:$0x3] =	wrdreg s18  }
0xb1: {  	[dreg:$0x4] =	wrdreg s24  }
0xb2: {  	[dreg:$0x5] =	wrdreg $0x94800  }
0xb3: {  	[dreg:$0x6] =	wrdreg $0x9  }
0xb4: {  	_ =	task.clear_ibuf [dreg:s8], $0x7FFFF;
	_ =	strace $0x90000046  }
0xb5: {  	s29 =	simm.s32 $0x9;
	_ =	strace $0x80000048  }
0xb6: {  	_ =	swait.ge [sflag:s29], $0x1  }
0xb7: {  	[sflag:s29] =	ssyncadd.s32 $0xFFFFFFFF  }
0xb8: {  	_ =	strace $0x90000048  }
0xb9: {  	_ =	sfence  }
0xba: {  	s30 =	sld [smem:$0x0];
	_ =	sdelay $0x2  }
0xbb: {  	s31 =	sshll.u32 s1, $0xD;
	s1 =	sshrl.u32 s1, $0x2  }
0xbc: {  	s3 =	sand.u32 $0x4000, s31;
	s1 =	sadd.s32 s1, s30  }
0xbd: {  	s0 =	sor.u32 s3, s0;
	s1 =	sshll.u32 s1, $0x11  }
0xbe: {  	s0 =	sor.u32 s1, s0  }
0xbf: {  	s0 =	sadd.s32 $0x8F2B, s0  }
0xc0: {  	[sflag:s0] =	ssyncadd.remote.s32 $0x1  }
0xc1: {  	_ =	sfence.sel $0xFFFF  }
0xc2: {  	[dreg:$0x0] =	wrdreg $0xFFFFFFFF;
	(pc) =	sbr.abs _section_cstart, $3  }
0xc3: {  	[dreg:$0x1] =	wrdreg $0xFFFFFFFF  }
0xc4: {  	_ =	task.clear_ibuf [dreg:s8], $0x2FFFF;
	_ =	strace $0x9FFFFFFF  }
0xc5: {  	(tm) =	ssettm $0x7FFFFFFF  }
tec
execute0_lowered:
.L_overlay_start_1:
0x0: {  	(tag) =	ssettag $0x1  }
0x1: {  	s0 =	rddreg [dreg:$0x0]  }
0x2: {  	s2 =	rddreg [dreg:$0x1]  }
0x3: {  	s1 =	srdreg.scid;
	s3 =	rddreg [dreg:$0x2]  }
0x4: {  	s15 =	stileid.u32;
	s4 =	rddreg [dreg:$0x3];
	s31 =	simm.s32 $0x400  }
0x5: {  	s30 =	simm.s32 $0x9;
	s28 =	simm.s32 $0x4;
	s18 =	smul.u32 $0x4E000, s15  }
0x6: {  	s1 =	sand.u32 $0x1, s1;
	s8 =	sshll.u32 s15, $0x7;
	s23 =	smul.u32 $0x13800, s15  }
0x7: {  	s9 =	sadd.s32 $0xB600, s3;
	s14 =	smul.u32 $0x2710, s15;
	s29 =	sadd.s32 $0x138000, s4  }
0x8: {  	s5 =	sshll.u32 s1, $0x4;
	s8 =	sand.u32 $0x380, s8;
	s10 =	ssub.s32 $0x2, s1  }
0x9: {  	s21 =	smul.u32 $0x138800, s1;
	s6 =	sor.u32 s15, s5;
	s5 =	simm.s32 $0x0  }
0xa: {  	s19 =	sshrl.u32 s10, $0x1;
	s7 =	sshrl.u32 s6, $0x3;
	s6 =	smul.u32 $0x2710, s6  }
0xb: {  	[smem:$0x7FF] =	sst s5;
	s10 =	ssub.s32 s10, s19;
	s7 =	smul.u32 $0x13C00, s7  }
0xc: {  	_ =	strace $0x80000047;
	[dreg:$0xc] =	wrdreg s29;
	s25 =	sshrl.u32 s6, $0x3  }
0xd: {  	s7 =	sor.u32 s8, s7;
	s8 =	sshrl.u32 s18, $0x2;
	s18 =	smax.u32 s10, $0x1  }
0xe: {  	s1 =	smul.u32 $0x27100, s1;
	s17 =	sadd.s32 s2, s25;
	[dreg:$0x12] =	wrdreg s18  }
0xf: {  	p0 =	sne.s32 s15, $0xF;
	s25 =	sadd.s32 $0x4E0, s17;
	[dreg:$0xd] =	wrdreg s17  }
0x10: {  	s1 =	sadd.s32 s14, s1;
	s16 =	sadd.s32 s8, s4;
	[dreg:$0x19] =	wrdreg s25  }
0x11: {  	s10 =	simm.s32 $0x280;
	s8 =	sadd.s32 $0x3000, s16;
	[dreg:$0x5] =	wrdreg s16  }
0x12: {  	s7 =	sshrl.u32 s7, $0x3;
	s20 =	sadd.s32 $0x6000, s16;
	[dreg:$0x6] =	wrdreg s8  }
0x13: {  	s18 =	simm.s32 $0x8;
	s11 =	sadd.s32 $0x9000, s16;
	[dreg:$0x7] =	wrdreg s20  }
0x14: {  	s3 =	sadd.s32 s7, s3;
	s22 =	sadd.s32 $0xC000, s16;
	[dreg:$0x8] =	wrdreg s11  }
0x15: {  	s7 =	sadd.s32 $0x4E200, s6;
	s12 =	sadd.s32 $0xF000, s16;
	[dreg:$0x9] =	wrdreg s22  }
0x16: {  	s24 =	sadd.s32 $0x12000, s16;
	s25 =	simm.s32 $0x1;
	[dreg:$0xa] =	wrdreg s12  }
0x17: {  	[dreg:$0xb] =	wrdreg s24;
	s13 =	sshrl.u32 s7, $0x3;
	s11 =	sadd.s32 s23, s21  }
0x18: {  	s8 =	sshrl.u32 s21, $0x3;
	s3 =	sadd.s32 $0x1800, s3;
	s20 =	sadd.s32 $0x4E320, s1  }
0x19: {  	s21 =	sadd.s32 $0xC0, s1;
	s23 =	sadd.s32 $0xC, s17;
	s24 =	sadd.s32 $0x9C4C, s17  }
0x1a: {  	s12 =	simm.s32 $0x3400;
	s26 =	sadd.s32 s2, s13;
	s11 =	sshrl.u32 s11, $0x3  }
0x1b: {  	s8 =	sadd.s32 s9, s8;
	s13 =	sadd.s32 $0x120, s1;
	[dreg:$0x11] =	wrdreg s3  }
0x1c: {  	s1 =	sadd.s32 $0x4E2C0, s1;
	s3 =	sshrl.u32 s20, $0x3;
	[dreg:$0x17] =	wrdreg s23  }
0x1d: {  	[dreg:$0x18] =	wrdreg s24;
	s20 =	simm.s32 $0x5;
	s23 =	simm.s32 $0x7  }
0x1e: {  	s24 =	simm.s32 $0x6;
	[dreg:$0xe] =	wrdreg s26;
	s9 =	sadd.s32 s9, s11  }
0x1f: {  	s8 =	sadd.s32 $0x27000, s8;
	s14 =	sshrl.u32 s13, $0x3;
	s1 =	sshrl.u32 s1, $0x3  }
0x20: {  	s3 =	sadd.s32 s3, s2;
	s26 =	sadd.s32 $0xA120, s17;
	[dreg:$0xf] =	wrdreg s9  }
0x21: {  	s11 =	simm.s32 $0x60;
	s13 =	simm.s32 $0x6D00;
	[dreg:$0x10] =	wrdreg s8  }
0x22: {  	s17 =	simm.s32 $0x100;
	s19 =	sadd.s32 s14, s2;
	[dreg:$0x14] =	wrdreg s3  }
0x23: {  	s8 =	sshrl.u32 s21, $0x3;
	s1 =	sadd.s32 s1, s2;
	[dreg:$0x1a] =	wrdreg s26  }
0x24: {  	s9 =	simm.s32 $0x80;
	s14 =	simm.s32 $0x380;
	s26 =	simm.s32 $0x3  }
0x25: {  	s21 =	simm.s32 $0x280;
	[dreg:$0x13] =	wrdreg s19;
	s22 =	sadd.s32 s8, s2  }
0x26: {  	[dreg:$0x16] =	wrdreg s1;
	s1 =	simm.s32 $0x200;
	s19 =	simm.s32 $0x2  }
0x27: {  	v0 =	vimm.f32 $0.0e+00;
	v1 =	vimm.f32 $1.000000000e+00;
	s8 =	simm.s32 $0x0;
	[dreg:$0x15] =	wrdreg s22;
	s22 =	simm.s32 $0x200  }
.LBB2_1:
0x28: {  	[dreg:$0x1b] =	wrdreg s8;
	s8 =	simm.s32 $0x0;
	s15 =	simm.s32 $0x200  }
.LBB2_2:
0x29: {  	p1 =	sne.s32 s15, $0xBE00;
	[tilespmem:s8+$0x3470] =	vst v0  }
0x2a: {  	[tilespmem:s8+$0x400] =	vst v0  }
0x2b: {  	[tilespmem:s8+$0x3400] =	vst v0  }
0x2c: {  	[tilespmem:s8+$0x410] =	vst v0  }
0x2d: {  	[tilespmem:s8+$0x3410] =	vst v0  }
0x2e: {  	[tilespmem:s8+$0x420] =	vst v0  }
0x2f: {  	[tilespmem:s8+$0x3420] =	vst v0  }
0x30: {  	[tilespmem:s8+$0x430] =	vst v0  }
0x31: {  	[tilespmem:s8+$0x3430] =	vst v0  }
0x32: {  	[tilespmem:s8+$0x440] =	vst v0  }
0x33: {  	[tilespmem:s8+$0x3440] =	vst v0  }
.Ltmp0:
0x34: {  	[tilespmem:s8+$0x450] =	vst v0;
	(pc) =	sbr.rel @p1 .LBB2_2-.Ltmp0, $4  }
0x35: {  	[tilespmem:s8+$0x3450] =	vst v0  }
0x36: {  	[tilespmem:s8+$0x460] =	vst v0  }
0x37: {  	[tilespmem:s8+$0x3460] =	vst v0  }
0x38: {  	[tilespmem:s8+$0x470] =	vst v0;
	s8 =	sshra.s32 s15, $0x2;
	s15 =	sadd.s32 $0x200, s15  }
0x39: {  	[tilespmem:s8+$0x3470] =	vst v0  }
0x3a: {  	[tilespmem:s8+$0x400] =	vst v0  }
0x3b: {  	[tilespmem:s8+$0x3400] =	vst v0  }
0x3c: {  	[tilespmem:s8+$0x410] =	vst v0  }
0x3d: {  	[tilespmem:s8+$0x3410] =	vst v0  }
0x3e: {  	[tilespmem:s8+$0x420] =	vst v0  }
0x3f: {  	[tilespmem:s8+$0x3420] =	vst v0  }
0x40: {  	[tilespmem:s8+$0x430] =	vst v0  }
0x41: {  	[tilespmem:s8+$0x3430] =	vst v0  }
0x42: {  	[tilespmem:s8+$0x440] =	vst v0  }
0x43: {  	[tilespmem:s8+$0x3440] =	vst v0  }
0x44: {  	[tilespmem:s8+$0x450] =	vst v0  }
0x45: {  	[tilespmem:s8+$0x3450] =	vst v0  }
0x46: {  	[tilespmem:s8+$0x460] =	vst v0  }
0x47: {  	[tilespmem:s8+$0x3460] =	vst v0  }
0x48: {  	[tilespmem:s8+$0x470] =	vst v0;
	s8 =	simm.s32 $0x40;
	s15 =	simm.s32 $0x0  }
.LBB2_4:
0x49: {  	p1 =	sne.s32 s8, $0x9C00;
	[tilespmem:s15+$0x6D00] =	vst v0;
	s15 =	smov.u32 s8;
	s8 =	sadd.s32 $0x40, s8  }
.Ltmp1:
0x4a: {  	(pc) =	sbr.rel @p1 .LBB2_4-.Ltmp1, $2  }
0x4b: {  	_ =	sdelay $0x2  }
0x4c: {  	s15 =	sshra.s32 s15, $0x2  }
0x4d: {  	[tilespmem:s15+$0x6D00] =	vst v0  }
0x4e: {  	[spmem:s16] =	stream.linear.scatter [tilespmem:s31], [sflag:$0x9], $0x3000, $0x38;
	[tilespmem:$0x1CD00] =	vst v63  }
0x4f: {  	_ =	swait.ge [sflag:s30], $0x3000  }
0x50: {  	[sflag:s30] =	ssyncset.done $0x0  }
0x51: {  	s3 =	rddreg [dreg:$0x6];
	[sflag:s30] =	ssyncadd.s32 $0xFFFFD000  }
0x52: {  	[spmem:s3] =	stream.linear.scatter [tilespmem:s31], [sflag:$0x9], $0x3000, $0x38;
	[tilespmem:$0x1CD00] =	vst v63  }
0x53: {  	_ =	swait.ge [sflag:s30], $0x3000  }
0x54: {  	[sflag:s30] =	ssyncset.done $0x0  }
0x55: {  	s8 =	rddreg [dreg:$0x7];
	[sflag:s30] =	ssyncadd.s32 $0xFFFFD000  }
0x56: {  	[spmem:s8] =	stream.linear.scatter [tilespmem:s31], [sflag:$0x9], $0x3000, $0x38;
	[tilespmem:$0x1CD00] =	vst v63  }
0x57: {  	_ =	swait.ge [sflag:s30], $0x3000  }
0x58: {  	[sflag:s30] =	ssyncset.done $0x0  }
0x59: {  	s15 =	rddreg [dreg:$0x8];
	[sflag:s30] =	ssyncadd.s32 $0xFFFFD000  }
0x5a: {  	[spmem:s15] =	stream.linear.scatter [tilespmem:s31], [sflag:$0x9], $0x3000, $0x38;
	[tilespmem:$0x1CD00] =	vst v63  }
0x5b: {  	_ =	swait.ge [sflag:s30], $0x3000  }
0x5c: {  	[sflag:s30] =	ssyncset.done $0x0  }
0x5d: {  	s16 =	rddreg [dreg:$0x9];
	[sflag:s30] =	ssyncadd.s32 $0xFFFFD000  }
0x5e: {  	[spmem:s16] =	stream.linear.scatter [tilespmem:s31], [sflag:$0x9], $0x3000, $0x38;
	[tilespmem:$0x1CD00] =	vst v63  }
0x5f: {  	_ =	swait.ge [sflag:s30], $0x3000  }
0x60: {  	[sflag:s30] =	ssyncset.done $0x0  }
0x61: {  	s8 =	rddreg [dreg:$0xa];
	[sflag:s30] =	ssyncadd.s32 $0xFFFFD000  }
0x62: {  	[spmem:s8] =	stream.linear.scatter [tilespmem:s31], [sflag:$0x9], $0x3000, $0x38;
	[tilespmem:$0x1CD00] =	vst v63  }
0x63: {  	_ =	swait.ge [sflag:s30], $0x3000  }
0x64: {  	[sflag:s30] =	ssyncset.done $0x0  }
0x65: {  	s15 =	rddreg [dreg:$0xb];
	[sflag:s30] =	ssyncadd.s32 $0xFFFFD000  }
0x66: {  	[spmem:s15] =	stream.linear.scatter [tilespmem:s31], [sflag:$0x9], $0x1800, $0x38;
	[tilespmem:$0x1CD00] =	vst v63  }
0x67: {  	_ =	swait.ge [sflag:s30], $0x1800  }
0x68: {  	[sflag:s30] =	ssyncset.done $0x0  }
0x69: {  	s8 =	simm.s32 @!p0 $0x400;
	[sflag:s30] =	ssyncadd.s32 $0xFFFFE800  }
0x6a: {  	[spmem:s29] =	stream.linear.scatter @!p0 [tilespmem:s8], [sflag:$0x9], $0x800, $0x38;
	[tilespmem:$0x1CD00] =	vst v63  }
0x6b: {  	s8 =	simm.s32 @!p0 $0x9  }
0x6c: {  	_ =	swait.ge @!p0 [sflag:s8], $0x800  }
0x6d: {  	[sflag:s8] =	ssyncset.done @!p0 $0x0  }
0x6e: {  	[sflag:s8] =	ssyncadd.s32 @!p0 $0xFFFFF800  }
0x6f: {  	[bflag:$0x0] =	sbarrier.arrive $0xFFFF  }
0x70: {  	s29 =	simm.s32 $0x0;
	s16 =	rddreg [dreg:$0xd]  }
0x71: {  	[tilespmem:s29], [sflag:$0x9] =	stream.linear.gather [hbm4b:s16+s29], $0x60, $0x38;
	[tilespmem:$0x1CD00] =	vst v63  }
0x72: {  	_ =	swait.ge [sflag:s30], $0x60  }
0x73: {  	[sflag:s30] =	ssyncset.done $0x0  }
0x74: {  	s8 =	rddreg [dreg:$0xe];
	[sflag:s30] =	ssyncadd.s32 $0xFFFFFFA0  }
0x75: {  	[tilespmem:s1], [sflag:$0x9] =	stream.linear.gather [hbm4b:s8+s29], $0x60, $0x38;
	[tilespmem:$0x1CD00] =	vst v63  }
0x76: {  	_ =	swait.ge [sflag:s30], $0x60  }
0x77: {  	s15 =	rddreg [dreg:$0x17]  }
0x78: {  	[sflag:s30] =	ssyncset.done $0x0;
	s16 =	rddreg [dreg:$0x18]  }
0x79: {  	s8 =	rddreg [dreg:$0x14];
	[sflag:s30] =	ssyncadd.s32 $0xFFFFFFA0  }
0x7a: {  	[tilespmem:s9], [sflag:$0x2] =	stream.linear.gather [hbm4b:s15+s29], $0x60, $0x38;
	[tilespmem:$0x1CD00] =	vst v63  }
0x7b: {  	s30 =	rddreg [dreg:$0x13]  }
0x7c: {  	[tilespmem:s10], [sflag:$0x2] =	stream.linear.gather [hbm4b:s16+s29], $0x60, $0x38;
	[tilespmem:$0x1CD00] =	vst v63  }
0x7d: {  	s15 =	rddreg [dreg:$0x15]  }
0x7e: {  	[spmem:s4] =	stream.indirect.scatter.add.f32 [tilespmem:s12], [sflag:$0x8], $0x80, s1, s11, $0xb8;
	[tilespmem:$0x1CD00] =	vst v63  }
0x7f: {  	s16 =	rddreg [dreg:$0x16];
	s10 =	simm.s32 $0x300;
	s1 =	simm.s32 $0x180  }
0x80: {  	[tilespmem:s31], [sflag:$0x5] =	stream.indirect.gather [hbm4b:s0+s11], $0x80, s29, s11, $0xb8;
	[tilespmem:$0x1CD00] =	vst v63  }
.LBB2_6:
0x81: {  	v2 =	vld [tilespmem:$0x200];
	_ =	sdelay $0x7  }
0x82: {  	[tilespmem:v2+s13+$0x0] =	vst.idx.add.f32.msk $0xffff, v1  }
0x83: {  	v2 =	vld [tilespmem:$0x210];
	_ =	sdelay $0x7  }
0x84: {  	[tilespmem:v2+s13+$0x0] =	vst.idx.add.f32.msk $0xffff, v1  }
0x85: {  	v2 =	vld [tilespmem:$0x220];
	_ =	sdelay $0x7  }
0x86: {  	[tilespmem:v2+s13+$0x0] =	vst.idx.add.f32.msk $0xffff, v1  }
0x87: {  	v2 =	vld [tilespmem:$0x230];
	_ =	sdelay $0x7  }
0x88: {  	[tilespmem:v2+s13+$0x0] =	vst.idx.add.f32.msk $0xffff, v1  }
0x89: {  	v2 =	vld [tilespmem:$0x240];
	_ =	sdelay $0x7  }
0x8a: {  	[tilespmem:v2+s13+$0x0] =	vst.idx.add.f32.msk $0xffff, v1  }
0x8b: {  	v2 =	vld [tilespmem:$0x250];
	_ =	sdelay $0x7  }
0x8c: {  	[tilespmem:v2+s13+$0x0] =	vst.idx.add.f32.msk $0xffff, v1  }
0x8d: {  	[tilespmem:s17], [sflag:$0x3] =	stream.linear.gather [hbm4b:s15+s5], $0x60, $0x38;
	[tilespmem:$0x1CD00] =	vst v63  }
0x8e: {  	_ = 	snop  }
0x8f: {  	[tilespmem:s10], [sflag:$0x3] =	stream.linear.gather [hbm4b:s16+s5], $0x60, $0x38;
	[tilespmem:$0x1CD00] =	vst v63  }
0x90: {  	_ =	swait.ge [sflag:s18], $0x3000  }
0x91: {  	[sflag:s18] =	ssyncset.done $0x0  }
0x92: {  	[sflag:s18] =	ssyncadd.s32 $0xFFFFD000  }
0x93: {  	_ =	swait.ge [sflag:s19], $0x60  }
0x94: {  	[sflag:s19] =	ssyncset.done $0x0  }
0x95: {  	[sflag:s19] =	ssyncadd.s32 $0xFFFFFFA0  }
0x96: {  	_ =	swait.ge [sflag:s19], $0x60  }
0x97: {  	[sflag:s19] =	ssyncset.done $0x0  }
0x98: {  	[sflag:s19] =	ssyncadd.s32 $0xFFFFFFA0  }
0x99: {  	[tilespmem:s12], [sflag:$0x6] =	stream.indirect.gather [hbm4b:s0+s11], $0x80, s9, s11, $0xb8;
	[tilespmem:$0x1CD00] =	vst v63  }
0x9a: {  	_ =	swait.ge [sflag:s20], $0x3000  }
0x9b: {  	[sflag:s20] =	ssyncset.done $0x0  }
0x9c: {  	[sflag:s20] =	ssyncadd.s32 $0xFFFFD000  }
0x9d: {  	[spmem:s4] =	stream.indirect.scatter.add.f32 [tilespmem:s31], [sflag:$0x7], $0x80, s22, s11, $0xb8;
	[tilespmem:$0x1CD00] =	vst v63  }
0x9e: {  	v2 =	vld [tilespmem:$0x280];
	_ =	sdelay $0x7  }
0x9f: {  	[tilespmem:v2+s13+$0x0] =	vst.idx.add.f32.msk $0xffff, v1  }
0xa0: {  	v2 =	vld [tilespmem:$0x290];
	_ =	sdelay $0x7  }
0xa1: {  	[tilespmem:v2+s13+$0x0] =	vst.idx.add.f32.msk $0xffff, v1  }
0xa2: {  	v2 =	vld [tilespmem:$0x2A0];
	_ =	sdelay $0x7  }
0xa3: {  	[tilespmem:v2+s13+$0x0] =	vst.idx.add.f32.msk $0xffff, v1  }
0xa4: {  	v2 =	vld [tilespmem:$0x2B0];
	_ =	sdelay $0x7  }
0xa5: {  	[tilespmem:v2+s13+$0x0] =	vst.idx.add.f32.msk $0xffff, v1  }
0xa6: {  	v2 =	vld [tilespmem:$0x2C0];
	_ =	sdelay $0x7  }
0xa7: {  	[tilespmem:v2+s13+$0x0] =	vst.idx.add.f32.msk $0xffff, v1  }
0xa8: {  	v2 =	vld [tilespmem:$0x2D0];
	_ =	sdelay $0x7  }
0xa9: {  	[tilespmem:v2+s13+$0x0] =	vst.idx.add.f32.msk $0xffff, v1  }
0xaa: {  	[tilespmem:s1], [sflag:$0x4] =	stream.linear.gather [hbm4b:s30+s5], $0x60, $0x38;
	[tilespmem:$0x1CD00] =	vst v63  }
0xab: {  	_ = 	snop  }
0xac: {  	[tilespmem:s14], [sflag:$0x4] =	stream.linear.gather [hbm4b:s8+s5], $0x60, $0x38;
	[tilespmem:$0x1CD00] =	vst v63  }
0xad: {  	_ =	swait.ge [sflag:s23], $0x3000  }
0xae: {  	[sflag:s23] =	ssyncset.done $0x0  }
0xaf: {  	[sflag:s23] =	ssyncadd.s32 $0xFFFFD000  }
0xb0: {  	_ =	swait.ge [sflag:s26], $0x60  }
0xb1: {  	[sflag:s26] =	ssyncset.done $0x0  }
0xb2: {  	[sflag:s26] =	ssyncadd.s32 $0xFFFFFFA0  }
0xb3: {  	_ =	swait.ge [sflag:s26], $0x60  }
0xb4: {  	[sflag:s26] =	ssyncset.done $0x0  }
0xb5: {  	[sflag:s26] =	ssyncadd.s32 $0xFFFFFFA0  }
0xb6: {  	[tilespmem:s31], [sflag:$0x5] =	stream.indirect.gather [hbm4b:s0+s11], $0x80, s17, s11, $0xb8;
	[tilespmem:$0x1CD00] =	vst v63  }
0xb7: {  	_ =	swait.ge [sflag:s24], $0x3000  }
0xb8: {  	[sflag:s24] =	ssyncset.done $0x0  }
0xb9: {  	[sflag:s24] =	ssyncadd.s32 $0xFFFFD000  }
0xba: {  	[spmem:s4] =	stream.indirect.scatter.add.f32 [tilespmem:s12], [sflag:$0x8], $0x80, s21, s11, $0xb8;
	[tilespmem:$0x1CD00] =	vst v63  }
0xbb: {  	v2 =	vld [tilespmem:$0x300];
	_ =	sdelay $0x7  }
0xbc: {  	[tilespmem:v2+s13+$0x0] =	vst.idx.add.f32.msk $0xffff, v1  }
0xbd: {  	v2 =	vld [tilespmem:$0x310];
	_ =	sdelay $0x7  }
0xbe: {  	[tilespmem:v2+s13+$0x0] =	vst.idx.add.f32.msk $0xffff, v1  }
0xbf: {  	v2 =	vld [tilespmem:$0x320];
	_ =	sdelay $0x7  }
0xc0: {  	[tilespmem:v2+s13+$0x0] =	vst.idx.add.f32.msk $0xffff, v1  }
0xc1: {  	v2 =	vld [tilespmem:$0x330];
	_ =	sdelay $0x7  }
0xc2: {  	[tilespmem:v2+s13+$0x0] =	vst.idx.add.f32.msk $0xffff, v1  }
0xc3: {  	v2 =	vld [tilespmem:$0x340];
	_ =	sdelay $0x7  }
0xc4: {  	[tilespmem:v2+s13+$0x0] =	vst.idx.add.f32.msk $0xffff, v1  }
0xc5: {  	v2 =	vld [tilespmem:$0x350];
	_ =	sdelay $0x1  }
0xc6: {  	s3 =	smin.u32 s29, $0x63  }
0xc7: {  	s3 =	smul.u32 $0x60, s3;
	_ =	sdelay $0x1  }
0xc8: {  	s3 =	sadd.s32 $0x180, s3  }
0xc9: {  	s14 =	sadd.s32 s6, s3  }
0xca: {  	s3 =	sadd.s32 s7, s3;
	s14 =	sshrl.u32 s14, $0x3  }
0xcb: {  	s3 =	sshrl.u32 s3, $0x3;
	s14 =	sadd.s32 s2, s14;
	[tilespmem:v2+s13+$0x0] =	vst.idx.add.f32.msk $0xffff, v1  }
0xcc: {  	[tilespmem:s5], [sflag:$0x1] =	stream.linear.gather [hbm4b:s14+s5], $0x60, $0x38;
	[tilespmem:$0x1CD00] =	vst v63  }
0xcd: {  	s3 =	sadd.s32 s2, s3  }
0xce: {  	[tilespmem:s22], [sflag:$0x1] =	stream.linear.gather [hbm4b:s3+s5], $0x60, $0x38;
	[tilespmem:$0x1CD00] =	vst v63  }
0xcf: {  	_ =	swait.ge [sflag:s18], $0x3000  }
0xd0: {  	[sflag:s18] =	ssyncset.done $0x0  }
0xd1: {  	[sflag:s18] =	ssyncadd.s32 $0xFFFFD000  }
0xd2: {  	_ =	swait.ge [sflag:s28], $0x60  }
0xd3: {  	[sflag:s28] =	ssyncset.done $0x0  }
0xd4: {  	[sflag:s28] =	ssyncadd.s32 $0xFFFFFFA0  }
0xd5: {  	_ =	swait.ge [sflag:s28], $0x60  }
0xd6: {  	[sflag:s28] =	ssyncset.done $0x0  }
0xd7: {  	[sflag:s28] =	ssyncadd.s32 $0xFFFFFFA0  }
0xd8: {  	[tilespmem:s12], [sflag:$0x6] =	stream.indirect.gather [hbm4b:s0+s11], $0x80, s1, s11, $0xb8;
	[tilespmem:$0x1CD00] =	vst v63  }
0xd9: {  	_ =	swait.ge [sflag:s20], $0x3000  }
0xda: {  	[sflag:s20] =	ssyncset.done $0x0  }
0xdb: {  	[sflag:s20] =	ssyncadd.s32 $0xFFFFD000  }
0xdc: {  	[spmem:s4] =	stream.indirect.scatter.add.f32 [tilespmem:s31], [sflag:$0x7], $0x80, s10, s11, $0xb8;
	[tilespmem:$0x1CD00] =	vst v63  }
0xdd: {  	v2 =	vld [tilespmem:$0x380];
	_ =	sdelay $0x7  }
0xde: {  	[tilespmem:v2+s13+$0x0] =	vst.idx.add.f32.msk $0xffff, v1  }
0xdf: {  	v2 =	vld [tilespmem:$0x390];
	_ =	sdelay $0x7  }
0xe0: {  	[tilespmem:v2+s13+$0x0] =	vst.idx.add.f32.msk $0xffff, v1  }
0xe1: {  	v2 =	vld [tilespmem:$0x3A0];
	_ =	sdelay $0x7  }
0xe2: {  	[tilespmem:v2+s13+$0x0] =	vst.idx.add.f32.msk $0xffff, v1  }
0xe3: {  	v2 =	vld [tilespmem:$0x3B0];
	_ =	sdelay $0x7  }
0xe4: {  	[tilespmem:v2+s13+$0x0] =	vst.idx.add.f32.msk $0xffff, v1  }
0xe5: {  	v2 =	vld [tilespmem:$0x3C0];
	_ =	sdelay $0x7  }
0xe6: {  	[tilespmem:v2+s13+$0x0] =	vst.idx.add.f32.msk $0xffff, v1  }
0xe7: {  	v2 =	vld [tilespmem:$0x3D0];
	_ =	sdelay $0x1  }
0xe8: {  	s14 =	smin.u32 s29, $0x62  }
0xe9: {  	s3 =	smul.u32 $0x60, s14;
	_ =	sdelay $0x1  }
0xea: {  	s3 =	sadd.s32 $0x1E0, s3  }
0xeb: {  	s14 =	sadd.s32 s6, s3  }
0xec: {  	s3 =	sadd.s32 s7, s3;
	s14 =	sshrl.u32 s14, $0x3  }
0xed: {  	s3 =	sshrl.u32 s3, $0x3;
	s14 =	sadd.s32 s2, s14;
	[tilespmem:v2+s13+$0x0] =	vst.idx.add.f32.msk $0xffff, v1  }
0xee: {  	[tilespmem:s9], [sflag:$0x2] =	stream.linear.gather [hbm4b:s14+s5], $0x60, $0x38;
	[tilespmem:$0x1CD00] =	vst v63  }
0xef: {  	s3 =	sadd.s32 s2, s3  }
0xf0: {  	[tilespmem:s21], [sflag:$0x2] =	stream.linear.gather [hbm4b:s3+s5], $0x60, $0x38;
	[tilespmem:$0x1CD00] =	vst v63  }
0xf1: {  	_ =	swait.ge [sflag:s23], $0x3000  }
0xf2: {  	[sflag:s23] =	ssyncset.done $0x0  }
0xf3: {  	[sflag:s23] =	ssyncadd.s32 $0xFFFFD000  }
0xf4: {  	_ =	swait.ge [sflag:s25], $0x60  }
0xf5: {  	[sflag:s25] =	ssyncset.done $0x0  }
0xf6: {  	[sflag:s25] =	ssyncadd.s32 $0xFFFFFFA0  }
0xf7: {  	_ =	swait.ge [sflag:s25], $0x60  }
0xf8: {  	[sflag:s25] =	ssyncset.done $0x0  }
0xf9: {  	p1 =	sne.s32 s29, $0x64;
	[sflag:s25] =	ssyncadd.s32 $0xFFFFFFA0  }
0xfa: {  	[tilespmem:s31], [sflag:$0x5] =	stream.indirect.gather [hbm4b:s0+s11], $0x80, s5, s11, $0xb8;
	[tilespmem:$0x1CD00] =	vst v63  }
.Ltmp2:
0xfb: {  	_ = 	snop;
	(pc) =	sbr.rel @p1 .LBB2_6-.Ltmp2, $4  }
0xfc: {  	s15 =	sadd.s32 $0x30, s15;
	s16 =	sadd.s32 $0x30, s16;
	_ =	swait.ge [sflag:s24], $0x3000  }
0xfd: {  	s30 =	sadd.s32 $0x30, s30;
	s8 =	sadd.s32 $0x30, s8;
	[sflag:s24] =	ssyncset.done $0x0  }
0xfe: {  	s29 =	sadd.s32 $0x4, s29;
	s14 =	simm.s32 $0x380;
	[sflag:s24] =	ssyncadd.s32 $0xFFFFD000  }
0xff: {  	[spmem:s4] =	stream.indirect.scatter.add.f32 [tilespmem:s12], [sflag:$0x8], $0x80, s14, s11, $0xb8;
	[tilespmem:$0x1CD00] =	vst v63  }
0x100: {  	_ =	swait.ge [sflag:s20], $0x3000  }
0x101: {  	[sflag:s20] =	ssyncset.done $0x0  }
0x102: {  	[sflag:s20] =	ssyncadd.s32 $0xFFFFD000  }
0x103: {  	_ =	swait.ge [sflag:s18], $0x3000  }
0x104: {  	[sflag:s18] =	ssyncset.done $0x0  }
0x105: {  	[sflag:s18] =	ssyncadd.s32 $0xFFFFD000  }
0x106: {  	_ =	swait.ge [sflag:s19], $0x60  }
0x107: {  	[sflag:s19] =	ssyncset.done $0x0  }
0x108: {  	[sflag:s19] =	ssyncadd.s32 $0xFFFFFFA0  }
0x109: {  	_ =	swait.ge [sflag:s19], $0x60  }
0x10a: {  	s1 =	simm.s32 $0x6400;
	[sflag:s19] =	ssyncset.done $0x0  }
0x10b: {  	s30 =	simm.s32 $0x9;
	s3 =	rddreg [dreg:$0x19];
	[sflag:s19] =	ssyncadd.s32 $0xFFFFFFA0  }
0x10c: {  	[tilespmem:s1], [sflag:$0x9] =	stream.linear.gather [hbm4b:s3+s5], $0x10, $0x38;
	[tilespmem:$0x1CD00] =	vst v63  }
0x10d: {  	_ =	swait.ge [sflag:s30], $0x10  }
0x10e: {  	[sflag:s30] =	ssyncset.done $0x0  }
0x10f: {  	s8 =	simm.s32 $0x6480;
	s14 =	rddreg [dreg:$0x1a];
	[sflag:s30] =	ssyncadd.s32 $0xFFFFFFF0  }
0x110: {  	[tilespmem:s8], [sflag:$0x9] =	stream.linear.gather [hbm4b:s14+s5], $0x10, $0x38;
	[tilespmem:$0x1CD00] =	vst v63  }
0x111: {  	_ =	swait.ge [sflag:s30], $0x10  }
0x112: {  	[sflag:s30] =	ssyncset.done $0x0  }
0x113: {  	s15 =	simm.s32 $0x10;
	s10 =	simm.s32 $0x6500;
	[sflag:s30] =	ssyncadd.s32 $0xFFFFFFF0  }
0x114: {  	[tilespmem:s10], [sflag:$0x5] =	stream.indirect.gather [hbm4b:s0+s15], $0x80, s1, s15, $0xb8;
	[tilespmem:$0x1CD00] =	vst v63  }
0x115: {  	_ =	swait.ge [sflag:s20], $0x800  }
0x116: {  	[sflag:s20] =	ssyncset.done $0x0  }
0x117: {  	[sflag:s20] =	ssyncadd.s32 $0xFFFFF800  }
0x118: {  	v2 =	vld [tilespmem:$0x6480];
	_ =	sdelay $0x7  }
0x119: {  	[tilespmem:v2+s13+$0x0] =	vst.idx.add.f32.msk $0xffff, v1  }
0x11a: {  	[spmem:s4] =	stream.indirect.scatter.add.f32 [tilespmem:s10], [sflag:$0x9], $0x80, s8, s15, $0xb8;
	[tilespmem:$0x1CD00] =	vst v63  }
0x11b: {  	_ =	swait.ge [sflag:s30], $0x800  }
0x11c: {  	[sflag:s30] =	ssyncset.done $0x0  }
0x11d: {  	[sflag:s30] =	ssyncadd.s32 $0xFFFFF800  }
0x11e: {  	s16 =	stileid.u32;
	[bflag:$0x0] =	sbarrier.arrive $0xFFFF  }
0x11f: {  	s3 =	sshll.u32 s16, $0x6;
	s16 =	rddreg [dreg:$0x5]  }
0x120: {  	s3 =	sor.u32 $0x1C09, s3;
	s14 =	rddreg [dreg:$0xf];
	s1 =	sshrl.u32 s16, $0x3  }
0x121: {  	[hbm:s14], [sflag:s3] =	dma.local [spmem:s1], $0x2700  }
0x122: {  	_ =	swait.ge [sflag:s30], $0x2700  }
0x123: {  	[sflag:s30] =	ssyncset.done $0x0;
	s29 =	rddreg [dreg:$0xc]  }
0x124: {  	s14 =	rddreg [dreg:$0x10];
	[sflag:s30] =	ssyncadd.s32 $0xFFFFD900;
	s8 =	sshrl.u32 @!p0 s29, $0x3  }
0x125: {  	[hbm:s14], [sflag:s3] =	dma.local @!p0 [spmem:s8], $0x100  }
0x126: {  	s3 =	simm.s32 @!p0 $0x9  }
0x127: {  	_ =	swait.ge @!p0 [sflag:s3], $0x100  }
0x128: {  	[sflag:s3] =	ssyncset.done @!p0 $0x0  }
0x129: {  	s8 =	rddreg [dreg:$0x11];
	[sflag:s3] =	ssyncadd.s32 @!p0 $0xFFFFFF00  }
0x12a: {  	[hbm4b:s8+s9] =	stream.strided.scatter [tilespmem:s13], [sflag:$0x9], $0x2780, s31, s9, $0x38;
	[tilespmem:$0x1CD00] =	vst v63  }
0x12b: {  	_ =	swait.ge [sflag:s30], $0x2780  }
0x12c: {  	s10 =	rddreg [dreg:$0x1b]  }
0x12d: {  	s15 =	rddreg [dreg:$0x12];
	s8 =	sadd.s32 $0x1, s10  }
0x12e: {  	p1 =	sne.s32 s8, s15  }
.Ltmp3:
0x12f: {  	_ = 	snop;
	(pc) =	sbr.rel @p1 .LBB2_1-.Ltmp3, $3  }
0x130: {  	_ =	sdelay $0x1  }
0x131: {  	s1 =	simm.s32 $0x200;
	[sflag:s30] =	ssyncset.done $0x0  }
0x132: {  	s14 =	simm.s32 $0x380;
	[sflag:s30] =	ssyncadd.s32 $0xFFFFD880;
	s10 =	simm.s32 $0x280  }
0x133: {  	_ =	sfence.sel $0x180000  }
0x134: {  	[bflag:$0x0] =	sbarrier.arrive $0xFFFF  }
0x135: {  	_ =	strace $0x90000047  }
0x136: {  	s0 =	stileid.u32;
	[bflag:$0x2] =	sbarrier.arrive $0xFFFF  }
0x137: {  	p0 =	sne.s32 s0, $0x0;
	s0 =	rddreg [dreg:$0x4]  }
0x138: {  	s0 =	sadd.s32 @!p0 $0x100000, s0  }
0x139: {  	[sflag:s0] =	ssyncadd.tile.s32 @!p0 $0x1;
	_ =	shalt  }
.Lfunc_end2:
_tile_overlayer_lowered:
.L_overlay_start_2:
0x13a: {  	(tag) =	ssettag $0x2  }
0x13b: {  	s0 =	rddreg [dreg:$0x0];
	s2 =	stileid.u32  }
0x13c: {  	s1 =	rddreg [dreg:$0x1];
	p0 =	sne.s32 s2, $0x0  }
0x13d: {  	s3 =	rddreg [dreg:$0x2];
	[bflag:$0x3] =	sbarrier.arrive $0xFFFF;
	s2 =	simm.s32 @!p0 $0x1C09  }
0x13e: {  	[timem:s3], [sflag:s2] =	dma.local @!p0 [hbm:s0], s1  }
0x13f: {  	s0 =	simm.s32 @!p0 $0x9  }
0x140: {  	_ =	swait.ge @!p0 [sflag:s0], s1  }
0x141: {  	s1 =	ssub.s32 @!p0 $0x0, s1;
	[sflag:s0] =	ssyncset.done @!p0 $0x0  }
0x142: {  	[sflag:s0] =	ssyncadd.s32 @!p0 s1  }
0x143: {  	[bflag:$0x3] =	sbarrier.arrive $0xFFFF  }
0x144: {  	_ =	shalt  }

</sc_bundles>
